<compile_context>
chip_gen: v7x
topology: tpu7x:2x2x1
jax: 0.10.2.dev20260603
libtpu: 0.0.44.dev20260713+nightly
codegen_flags: <defaults>
</compile_context>

<pallas_src>
import jax
import jax.numpy as jnp
from jax import lax
from jax.experimental import pallas as pl
from jax.experimental.pallas import tpu as pltpu
from jax.experimental.pallas import tpu_sc as plsc

_NPOINT = 512
_NSAMPLE = 32
_BANDWIDTH = 0.1
_IN_CHANNEL = 67
_BN_S = __import__("math").sqrt(1.0 + 1e-5)
_B = 8
_N = 2048
_D = 64
_ROWW = 128



def _density_kernel(q_ref, x_ref, out_ref):
    q = q_ref[0, 0]
    x = x_ref[0]
    t = lax.dot_general(q, x, (((1,), (0,)), ((), ())),
                        preferred_element_type=jnp.float32)
    q2 = jnp.sum(q * q, axis=1, keepdims=True)
    n2 = jnp.sum(x * x, axis=0, keepdims=True)
    dist = (-2.0 * t + q2) + n2
    g = jnp.exp(-dist / (2.0 * _BANDWIDTH * _BANDWIDTH)) / (2.5 * _BANDWIDTH)
    out_ref[...] = jnp.mean(g, axis=1, keepdims=True)[None]


def _compute_density(xyz, xTb):
    grid = (_B, _N // 128)
    x4 = xyz.reshape(_B, _N // 128, 128, 3)
    out = pl.pallas_call(
        _density_kernel,
        grid=grid,
        in_specs=[
            pl.BlockSpec((1, 1, 128, 3), lambda b, r: (b, r, 0, 0)),
            pl.BlockSpec((1, 3, _N), lambda b, r: (b, 0, 0)),
        ],
        out_specs=pl.BlockSpec((1, 128, 1), lambda b, r: (b, r, 0)),
        out_shape=jax.ShapeDtypeStruct((_B, _N, 1), jnp.float32),
    )(x4, xTb)
    return out.reshape(_B, _N)




def _fps_kernel(x_ref, y_ref, z_ref, idx_ref, cx_ref, cy_ref, cz_ref,
                dist_ref):
    lane_n = lax.broadcasted_iota(jnp.int32, (_B, _N), 1)
    lane_s = lax.broadcasted_iota(jnp.int32, (_B, _NPOINT), 1)
    dist_ref[...] = jnp.full((_B, _N), 1e10, dtype=jnp.float32)
    idx_ref[...] = jnp.zeros((_B, _NPOINT), jnp.int32)
    cx_ref[...] = jnp.zeros((_B, _NPOINT), jnp.float32)
    cy_ref[...] = jnp.zeros((_B, _NPOINT), jnp.float32)
    cz_ref[...] = jnp.zeros((_B, _NPOINT), jnp.float32)

    def body(t, carry):
        distance = dist_ref[...]
        m = jnp.max(distance, axis=1, keepdims=True)
        farthest = jnp.min(jnp.where(distance == m, lane_n, _N), axis=1,
                           keepdims=True)
        x = x_ref[...]
        y = y_ref[...]
        z = z_ref[...]
        fmask = lane_n == farthest
        cx = jnp.sum(jnp.where(fmask, x, 0.0), axis=1, keepdims=True)
        cy = jnp.sum(jnp.where(fmask, y, 0.0), axis=1, keepdims=True)
        cz = jnp.sum(jnp.where(fmask, z, 0.0), axis=1, keepdims=True)
        smask = lane_s == t
        idx_ref[...] = jnp.where(
            smask, jnp.broadcast_to(farthest, (_B, _NPOINT)), idx_ref[...])
        cx_ref[...] = jnp.where(
            smask, jnp.broadcast_to(cx, (_B, _NPOINT)), cx_ref[...])
        cy_ref[...] = jnp.where(
            smask, jnp.broadcast_to(cy, (_B, _NPOINT)), cy_ref[...])
        cz_ref[...] = jnp.where(
            smask, jnp.broadcast_to(cz, (_B, _NPOINT)), cz_ref[...])
        dx = x - cx
        dy = y - cy
        dz = z - cz
        d = (dx * dx + dy * dy) + dz * dz
        dist_ref[...] = jnp.minimum(distance, d)
        return carry

    lax.fori_loop(0, _NPOINT, body, 0)


def _run_fps(xT):
    full_n = pl.BlockSpec((_B, _N), lambda: (0, 0))
    full_s = pl.BlockSpec((_B, _NPOINT), lambda: (0, 0))
    return pl.pallas_call(
        _fps_kernel,
        in_specs=[full_n, full_n, full_n],
        out_specs=[full_s, full_s, full_s, full_s],
        out_shape=[
            jax.ShapeDtypeStruct((_B, _NPOINT), jnp.int32),
            jax.ShapeDtypeStruct((_B, _NPOINT), jnp.float32),
            jax.ShapeDtypeStruct((_B, _NPOINT), jnp.float32),
            jax.ShapeDtypeStruct((_B, _NPOINT), jnp.float32),
        ],
        scratch_shapes=[pltpu.VMEM((_B, _N), jnp.float32)],
    )(xT[0], xT[1], xT[2])




def _knn_kernel(q_ref, x_ref, inv_ref, idx_ref, dmax_ref):
    b = pl.program_id(0)
    q = q_ref[0]
    x = x_ref[0]
    inv = inv_ref[0]
    t = lax.dot_general(q, x, (((1,), (0,)), ((), ())),
                        preferred_element_type=jnp.float32)
    q2 = jnp.sum(q * q, axis=1, keepdims=True)
    n2 = jnp.sum(x * x, axis=0, keepdims=True)
    dist = (-2.0 * t + q2) + n2
    lane_n = lax.broadcasted_iota(jnp.int32, (_NPOINT, _N), 1)
    lane_k = lax.broadcasted_iota(jnp.int32, (_NPOINT, _NSAMPLE), 1)
    idx_ref[...] = jnp.zeros((1, _NPOINT, _NSAMPLE), jnp.int32)
    inf = jnp.float32(jnp.inf)

    def body(k, dist):
        val = jnp.min(dist, axis=1, keepdims=True)
        sel = jnp.min(jnp.where(dist == val, lane_n, _N), axis=1,
                      keepdims=True)
        idx_ref[...] = jnp.where(
            lane_k == k, jnp.broadcast_to(sel + b * _N,
                                          (_NPOINT, _NSAMPLE)),
            idx_ref[0])[None]
        return jnp.where(lane_n == sel, inf, dist)

    dist = lax.fori_loop(0, _NSAMPLE, body, dist)
    dmax_ref[...] = jnp.max(jnp.where(dist == inf, inv, 0.0), axis=1,
                            keepdims=True)[None]


def _run_knn(new_xyz, xTb, invd):
    return pl.pallas_call(
        _knn_kernel,
        grid=(_B,),
        in_specs=[
            pl.BlockSpec((1, _NPOINT, 3), lambda b: (b, 0, 0)),
            pl.BlockSpec((1, 3, _N), lambda b: (b, 0, 0)),
            pl.BlockSpec((1, 1, _N), lambda b: (b, 0, 0)),
        ],
        out_specs=[
            pl.BlockSpec((1, _NPOINT, _NSAMPLE), lambda b: (b, 0, 0)),
            pl.BlockSpec((1, _NPOINT, 1), lambda b: (b, 0, 0)),
        ],
        out_shape=[
            jax.ShapeDtypeStruct((_B, _NPOINT, _NSAMPLE), jnp.int32),
            jax.ShapeDtypeStruct((_B, _NPOINT, 1), jnp.float32),
        ],
    )(new_xyz, xTb, invd.reshape(_B, 1, _N))



_NW = 32
_ROWS = _B * _NPOINT * _NSAMPLE
_RPW = _ROWS // _NW
_CHUNK = 128
_NCHUNK = _RPW // _CHUNK


def _sc_gather_body(tab_ref, idx_ref, out_ref, idx_v, rows_a, rows_b, sem_a,
                    sem_b):
    c = lax.axis_index("c")
    s = lax.axis_index("s")
    wid = s * 2 + c
    base = wid * _RPW
    pltpu.sync_copy(idx_ref.at[wid], idx_v)

    def body(j, carry):
        i0 = 2 * j
        cpa = pltpu.async_copy(tab_ref.at[idx_v.at[i0]], rows_a, sem_a)
        cpb = pltpu.async_copy(tab_ref.at[idx_v.at[i0 + 1]], rows_b, sem_b)
        cpa.wait()
        pltpu.sync_copy(rows_a,
                        out_ref.at[pl.ds(base + i0 * _CHUNK, _CHUNK)])
        cpb.wait()
        pltpu.sync_copy(rows_b,
                        out_ref.at[pl.ds(base + (i0 + 1) * _CHUNK, _CHUNK)])
        return carry

    lax.fori_loop(0, _NCHUNK // 2, body, 0)


def _sc_gather(table, idx3):
    mesh = plsc.VectorSubcoreMesh(core_axis_name="c", subcore_axis_name="s")
    run = pl.kernel(
        _sc_gather_body,
        out_type=jax.ShapeDtypeStruct((_ROWS, _ROWW), jnp.float32),
        mesh=mesh,
        scratch_types=[
            pltpu.VMEM((_NCHUNK, _CHUNK), jnp.int32),
            pltpu.VMEM((_CHUNK, _ROWW), jnp.float32),
            pltpu.VMEM((_CHUNK, _ROWW), jnp.float32),
            pltpu.SemaphoreType.DMA,
            pltpu.SemaphoreType.DMA,
        ],
    )
    return run(table, idx3)



_SBLK = 64
_RBLK = _SBLK * _NSAMPLE
_SGRP = 8


def _mlp_kernel(g_ref, c_ref, dm_ref, ee_ref, w0_ref, w1_ref, w2_ref,
                dw1_ref, ww0_ref, ww1_ref, ww2_ref, a_ref):
    g = g_ref[...]
    xyzn = g[:, 0:3] - c_ref[...]
    feat = jnp.concatenate([xyzn, g[:, 16:16 + _D]], axis=1)

    h = jnp.maximum(jnp.dot(feat, w0_ref[...],
                            preferred_element_type=jnp.float32), 0.0)
    h = jnp.maximum(jnp.dot(h, w1_ref[...],
                            preferred_element_type=jnp.float32), 0.0)
    x = jnp.maximum(jnp.dot(h, w2_ref[...],
                            preferred_element_type=jnp.float32), 0.0)

    invd = g[:, 3:4]
    dmax_rows = jnp.dot(ee_ref[...], dm_ref[0],
                        preferred_element_type=jnp.float32)
    dsc = invd / dmax_rows
    dh = jnp.maximum(dsc * dw1_ref[0:1, :], 0.0)
    dh = jnp.maximum(jnp.dot(dh, dw1_ref[1:9, :],
                             preferred_element_type=jnp.float32), 0.0)
    dso = jnp.maximum(jnp.dot(dh, dw1_ref[9:17, 0:1],
                              preferred_element_type=jnp.float32), 0.0)
    x = x * dso

    wh = jnp.maximum(jnp.dot(xyzn, ww0_ref[...],
                             preferred_element_type=jnp.float32), 0.0)
    wh = jnp.maximum(jnp.dot(wh, ww1_ref[...],
                             preferred_element_type=jnp.float32), 0.0)
    gx = jnp.maximum(jnp.dot(wh, ww2_ref[...],
                             preferred_element_type=jnp.float32), 0.0)

    rows = _SGRP * _NSAMPLE
    srow = lax.broadcasted_iota(jnp.int32, (rows, 128), 0) // _NSAMPLE
    srep = lax.broadcasted_iota(jnp.int32, (rows, 128), 1) // 16
    bmask = srow == srep
    parts = []
    for gi in range(_SBLK // _SGRP):
        xg = x[gi * rows:(gi + 1) * rows, :]
        gg = gx[gi * rows:(gi + 1) * rows, :]
        ge = jnp.where(bmask, jnp.concatenate([gg] * _SGRP, axis=1), 0.0)
        pg = lax.dot_general(ge, xg, (((0,), (0,)), ((), ())),
                             preferred_element_type=jnp.float32)
        parts.append(pg)
    a_ref[...] = jnp.concatenate(parts, axis=0)[None]


def _lin_kernel(a_ref, w2p_ref, o_ref):
    o = jnp.dot(a_ref[0], w2p_ref[...], preferred_element_type=jnp.float32)
    o_ref[...] = jnp.maximum(o, 0.0)[None]


def _run_mlp(grows, crows, dmax, params):
    def fold(w, b, g, bt):
        s = g / _BN_S
        return w * s[None, :], b * s + bt

    w0, b0 = fold(params['mlp_w0'], params['mlp_b0'], params['mlp_g0'],
                  params['mlp_bt0'])
    w1, b1 = fold(params['mlp_w1'], params['mlp_b1'], params['mlp_g1'],
                  params['mlp_bt1'])
    w2, b2 = fold(params['mlp_w2'], params['mlp_b2'], params['mlp_g2'],
                  params['mlp_bt2'])
    dws = [fold(params['dnet_w%d' % i], params['dnet_b%d' % i],
                params['dnet_g%d' % i], params['dnet_bt%d' % i])
           for i in range(3)]
    wws = [fold(params['wnet_w%d' % i], params['wnet_b%d' % i],
                params['wnet_g%d' % i], params['wnet_bt%d' % i])
           for i in range(3)]
    lw, lb = fold(params['lin_w'], params['lin_b'], params['lin_g'],
                  params['lin_bt'])
    dpack = jnp.zeros((17, 8), jnp.float32)
    dpack = dpack.at[0:1, :].set(dws[0][0])
    dpack = dpack.at[1:9, :].set(dws[1][0])
    dpack = dpack.at[9:17, 0:1].set(dws[2][0])
    w2p = lw.reshape(128, 16, 128).transpose(1, 0, 2).reshape(2048, 128)
    ee = (lax.broadcasted_iota(jnp.int32, (_RBLK, _SBLK), 0) // _NSAMPLE ==
          lax.broadcasted_iota(jnp.int32, (_RBLK, _SBLK), 1)
          ).astype(jnp.float32)

    grid = (_B, _NPOINT // _SBLK)
    full = lambda shape: pl.BlockSpec(shape, lambda b, s: (0, 0))
    a = pl.pallas_call(
        _mlp_kernel,
        grid=grid,
        in_specs=[
            pl.BlockSpec((_RBLK, _ROWW), lambda b, s: (b * 8 + s, 0)),
            pl.BlockSpec((_RBLK, 3), lambda b, s: (b * 8 + s, 0)),
            pl.BlockSpec((1, _SBLK, 1), lambda b, s: (b, s, 0)),
            full((_RBLK, _SBLK)),
            full((_IN_CHANNEL, 64)),
            full((64, 64)),
            full((64, 128)),
            full((17, 8)),
            full((3, 8)),
            full((8, 8)),
            full((8, 16)),
        ],
        out_specs=pl.BlockSpec((1, _SBLK * 16, 128), lambda b, s: (b, s, 0)),
        out_shape=jax.ShapeDtypeStruct((_B, _NPOINT * 16, 128), jnp.float32),
    )(grows, crows, dmax, ee, w0, w1, w2, dpack, wws[0][0], wws[1][0],
      wws[2][0])
    a2 = a.reshape(_B, _NPOINT, 16 * 128)
    out = pl.pallas_call(
        _lin_kernel,
        grid=(_B, _NPOINT // 128),
        in_specs=[
            pl.BlockSpec((1, 128, 2048), lambda b, s: (b, s, 0)),
            pl.BlockSpec((2048, 128), lambda b, s: (0, 0)),
        ],
        out_specs=pl.BlockSpec((1, 128, 128), lambda b, s: (b, s, 0)),
        out_shape=jax.ShapeDtypeStruct((_B, _NPOINT, 128), jnp.float32),
    )(a2, w2p)
    return out




def kernel(xyz, points, params):
    xT = jnp.transpose(xyz, (2, 0, 1))
    xTb = jnp.transpose(xyz, (0, 2, 1))

    dens_bn = _compute_density(xyz, xTb)
    invd_flat = (1.0 / dens_bn).reshape(_B * _N, 1)

    fps_idx, cx, cy, cz = _run_fps(xT)
    new_xyz = jnp.stack([cx, cy, cz], axis=-1)
    gidx, dmax = _run_knn(new_xyz, xTb, 1.0 / dens_bn)

    table = jnp.concatenate([
        xyz.reshape(_B * _N, 3),
        invd_flat,
        jnp.zeros((_B * _N, 12), jnp.float32),
        points.reshape(_B * _N, _D),
        jnp.zeros((_B * _N, 48), jnp.float32),
    ], axis=1)

    idx3 = gidx.reshape(_NW, _NCHUNK, _CHUNK)
    grows = _sc_gather(table, idx3)

    crows = jnp.broadcast_to(new_xyz[:, :, None, :],
                             (_B, _NPOINT, _NSAMPLE, 3)).reshape(-1, 3)

    o = _run_mlp(grows, crows, dmax, params)
    out = jnp.transpose(o, (0, 2, 1))
    new_xyz_out = jnp.stack([cx, cy, cz], axis=1)
    return new_xyz_out, out

# --- scband reference (transcript-rebuilt; emitter-appended) ---
"""Pipeline reference for scband-point-conv-layer-79431125172409 (READ-ONLY COPY).

The authoritative reference and input builder live on the scoring server;
editing this copy changes nothing except your own understanding.
"""

import jax, jax.numpy as jnp
import numpy as np

NPOINT = 512
NSAMPLE = 32
BANDWIDTH = 0.1
MLP = [64, 64, 128]
IN_CHANNEL = 67

def square_distance(src, dst):
    dist = -2.0 * jnp.einsum('bnc,bmc->bnm', src, dst)
    dist = dist + jnp.sum(src ** 2, -1)[:, :, None]
    dist = dist + jnp.sum(dst ** 2, -1)[:, None, :]
    return dist

def index_points(points, idx):
    return jax.vmap(lambda p, i: p[i])(points, idx)

def compute_density(xyz, bandwidth):
    sqrdists = square_distance(xyz, xyz)
    g = jnp.exp(-sqrdists / (2.0 * bandwidth * bandwidth)) / (2.5 * bandwidth)
    return jnp.mean(g, -1)

def farthest_point_sample(xyz, npoint):
    B, N, _ = xyz.shape
    distance0 = jnp.full((B, N), 1e10, dtype=xyz.dtype)
    farthest0 = jnp.zeros((B,), dtype=jnp.int32)
    def step(carry, _):
        distance, farthest = carry
        centroid = jax.vmap(lambda p, i: p[i])(xyz, farthest)
        d = jnp.sum((xyz - centroid[:, None, :]) ** 2, -1)
        distance = jnp.minimum(distance, d)
        nxt = jnp.argmax(distance, -1).astype(jnp.int32)
        return (distance, nxt), farthest
    _, idxs = jax.lax.scan(step, (distance0, farthest0), None, length=npoint)
    return jnp.transpose(idxs)

def knn_point(nsample, xyz, new_xyz):
    sqrdists = square_distance(new_xyz, xyz)
    _, idx = jax.lax.top_k(-sqrdists, nsample)
    return idx

def bn_inf(x, gamma, beta):
    shape = [1, -1] + [1] * (x.ndim - 2)
    return gamma.reshape(shape) * x / jnp.sqrt(1.0 + 1e-5) + beta.reshape(shape)

def conv_bn_relu_2d(x, w, b, g, bt):
    x = jnp.einsum('bcks,co->boks', x, w) + b[None, :, None, None]
    return jax.nn.relu(bn_inf(x, g, bt))

def setup_inputs(seed: int = 0):
    key = jax.random.key(seed)
    ks = jax.random.split(key, 64)
    B, N, D = 8, 2048, 64
    xyz = jax.random.normal(ks[0], (B, N, 3), dtype=jnp.float32)
    points = jax.random.normal(ks[1], (B, N, D), dtype=jnp.float32)
    params = {}
    ki = [2]
    def nk():
        k = ks[ki[0]]
        ki[0] += 1
        return k
    def chain(dims, prefix):
        for i in range(len(dims) - 1):
            params[prefix + '_w%d' % i] = jax.random.normal(nk(), (dims[i], dims[i + 1]), dtype=jnp.float32) * 0.1
            params[prefix + '_b%d' % i] = jnp.zeros((dims[i + 1],), dtype=jnp.float32)
            params[prefix + '_g%d' % i] = jnp.ones((dims[i + 1],), dtype=jnp.float32)
            params[prefix + '_bt%d' % i] = jnp.zeros((dims[i + 1],), dtype=jnp.float32)
    chain([IN_CHANNEL] + MLP, 'mlp')
    chain([3, 8, 8, 16], 'wnet')
    chain([1, 8, 8, 1], 'dnet')
    params['lin_w'] = jax.random.normal(nk(), (MLP[-1] * 16, MLP[-1]), dtype=jnp.float32) * 0.05
    params['lin_b'] = jnp.zeros((MLP[-1],), dtype=jnp.float32)
    params['lin_g'] = jnp.ones((MLP[-1],), dtype=jnp.float32)
    params['lin_bt'] = jnp.zeros((MLP[-1],), dtype=jnp.float32)
    return {"xyz": xyz, "points": points, "params": params}

def _forward(xyz, points, params):
    B, N, _ = xyz.shape
    xyz_density = compute_density(xyz, BANDWIDTH)
    inverse_density = 1.0 / xyz_density
    fps_idx = farthest_point_sample(xyz, NPOINT)
    new_xyz = index_points(xyz, fps_idx)
    idx = knn_point(NSAMPLE, xyz, new_xyz)
    grouped_xyz = index_points(xyz, idx)
    grouped_xyz_norm = grouped_xyz - new_xyz[:, :, None, :]
    grouped_points = index_points(points, idx)
    new_points = jnp.concatenate([grouped_xyz_norm, grouped_points], -1)
    grouped_density = index_points(inverse_density[..., None], idx)
    x = jnp.transpose(new_points, (0, 3, 2, 1))
    for i in range(len(MLP)):
        x = conv_bn_relu_2d(x, params['mlp_w%d' % i], params['mlp_b%d' % i], params['mlp_g%d' % i], params['mlp_bt%d' % i])
    inv_max = jnp.max(grouped_density, axis=2, keepdims=True)
    density_scale = grouped_density / inv_max
    ds = jnp.transpose(density_scale, (0, 3, 2, 1))
    for i in range(3):
        ds = conv_bn_relu_2d(ds, params['dnet_w%d' % i], params['dnet_b%d' % i], params['dnet_g%d' % i], params['dnet_bt%d' % i])
    x = x * ds
    gx = jnp.transpose(grouped_xyz_norm, (0, 3, 2, 1))
    for i in range(3):
        gx = conv_bn_relu_2d(gx, params['wnet_w%d' % i], params['wnet_b%d' % i], params['wnet_g%d' % i], params['wnet_bt%d' % i])
    out = jnp.matmul(jnp.transpose(x, (0, 3, 1, 2)), jnp.transpose(gx, (0, 3, 2, 1)))
    out = out.reshape(B, NPOINT, -1)
    out = jnp.einsum('bsf,fo->bso', out, params['lin_w']) + params['lin_b'][None, None, :]
    out = jnp.transpose(out, (0, 2, 1))
    out = jax.nn.relu(bn_inf(out, params['lin_g'], params['lin_bt']))
    new_xyz_out = jnp.transpose(new_xyz, (0, 2, 1))
    return new_xyz_out, out

def reference(xyz, points, params):
    return _forward(xyz, points, params)

if __name__ == "__main__":
    import jax
    _d = setup_inputs()
    print(jax.jit(kernel)(*tuple(_d.values())))

</pallas_src>

<mosaic_0001>
#map = affine_map<(d0, d1) -> (0, 0)>
#map1 = affine_map<(d0, d1) -> (0, 0, 0)>
module attributes {stable_mosaic.version = 14 : i64} {
  func.func @_sc_gather_body(%arg0: i32, %arg1: i32, %arg2: memref<16384x128xf32, #tpu.memory_space<hbm>>, %arg3: memref<32x32x128xi32, #tpu.memory_space<hbm>>, %arg4: memref<131072x128xf32, #tpu.memory_space<hbm>>, %arg5: memref<32x128xi32, #tpu.memory_space<vmem>>, %arg6: memref<128x128xf32, #tpu.memory_space<vmem>>, %arg7: memref<128x128xf32, #tpu.memory_space<vmem>>, %arg8: memref<!tpu.dma_semaphore, #tpu.memory_space<semaphore_mem>>, %arg9: memref<!tpu.dma_semaphore, #tpu.memory_space<semaphore_mem>>) attributes {dimension_semantics = [#tpu.dimension_semantics<core_parallel>, #tpu.dimension_semantics<subcore_parallel>], iteration_bounds = array<i64: 2, 16>, scalar_prefetch = 0 : i64, scratch_operands = 5 : i64, tpu.core_type = #tpu.core_type<sc_vector_subcore>, window_params = [{transform_indices = #map}, {transform_indices = #map1}, {transform_indices = #map}]} {
    %mul3A = arith.constant 2 : i32
    %mul3A_0 = arith.muli %arg1, %mul3A : i32
    %add3A = arith.addi %mul3A_0, %arg0 : i32
    %mul3A_1 = arith.constant 4096 : i32
    %mul3A_2 = arith.muli %add3A, %mul3A_1 : i32
    "tpu.region"() ({
      %run_scoped3A = tpu.sem_alloc : memref<!tpu.dma_semaphore, #tpu.memory_space<semaphore_mem>>
      %dma_start3A = arith.constant 0 : i32
      %dma_start3A_8 = arith.constant 0 : i32
      %dma_start3A_9 = tpu.memref_slice %arg3[%add3A, %dma_start3A, %dma_start3A_8] : memref<32x32x128xi32, #tpu.memory_space<hbm>> -> memref<1x32x128xi32, #tpu.memory_space<hbm>>
      %dma_start3A_10 = tpu.memref_squeeze %dma_start3A_9 : memref<1x32x128xi32, #tpu.memory_space<hbm>> -> memref<32x128xi32, #tpu.memory_space<hbm>>
      %dma_start3A_11 = arith.constant 0 : i32
      %dma_start3A_12 = arith.constant 0 : i32
      %dma_start3A_13 = tpu.memref_slice %arg3[%add3A, %dma_start3A_11, %dma_start3A_12] : memref<32x32x128xi32, #tpu.memory_space<hbm>> -> memref<1x32x128xi32, #tpu.memory_space<hbm>>
      %dma_start3A_14 = tpu.memref_squeeze %dma_start3A_13 : memref<1x32x128xi32, #tpu.memory_space<hbm>> -> memref<32x128xi32, #tpu.memory_space<hbm>>
      tpu.enqueue_dma source(%dma_start3A_14 : memref<32x128xi32, #tpu.memory_space<hbm>>) target(%arg5 : memref<32x128xi32, #tpu.memory_space<vmem>>) target_semaphore(%run_scoped3A : memref<!tpu.dma_semaphore, #tpu.memory_space<semaphore_mem>>)
      %dma_wait3A = arith.constant 0 : i32
      %dma_wait3A_15 = arith.constant 0 : i32
      %dma_wait3A_16 = tpu.memref_slice %arg3[%add3A, %dma_wait3A, %dma_wait3A_15] : memref<32x32x128xi32, #tpu.memory_space<hbm>> -> memref<1x32x128xi32, #tpu.memory_space<hbm>>
      %dma_wait3A_17 = tpu.memref_squeeze %dma_wait3A_16 : memref<1x32x128xi32, #tpu.memory_space<hbm>> -> memref<32x128xi32, #tpu.memory_space<hbm>>
      %dma_wait3A_18 = arith.constant 0 : i32
      %dma_wait3A_19 = arith.constant 0 : i32
      %dma_wait3A_20 = tpu.memref_slice %arg3[%add3A, %dma_wait3A_18, %dma_wait3A_19] : memref<32x32x128xi32, #tpu.memory_space<hbm>> -> memref<1x32x128xi32, #tpu.memory_space<hbm>>
      %dma_wait3A_21 = tpu.memref_squeeze %dma_wait3A_20 : memref<1x32x128xi32, #tpu.memory_space<hbm>> -> memref<32x128xi32, #tpu.memory_space<hbm>>
      tpu.wait_dma2 semaphore(%run_scoped3A : memref<!tpu.dma_semaphore, #tpu.memory_space<semaphore_mem>>) src(%dma_wait3A_21 : memref<32x128xi32, #tpu.memory_space<hbm>>) dst(%arg5 : memref<32x128xi32, #tpu.memory_space<vmem>>)
      tpu.yield
    }) : () -> ()
    %scan3A = arith.constant 0 : i32
    %scan3A_3 = arith.constant 0 : i32
    %scan3A_4 = arith.constant 16 : i32
    %scan3A_5 = arith.addi %scan3A_3, %scan3A_4 : i32
    %scan3A_6 = arith.constant 1 : i32
    scf.for %scan3A_8 = %scan3A_3 to %scan3A_5 step %scan3A_6  : i32 {
      %mul3A_9 = arith.constant 2 : i32
      %mul3A_10 = arith.muli %mul3A_9, %scan3A_8 : i32
      %dma_start3A = arith.constant 0 : i32
      %dma_start3A_11 = tpu.memref_slice %arg5[%mul3A_10, %dma_start3A] : memref<32x128xi32, #tpu.memory_space<vmem>> -> memref<1x128xi32, #tpu.memory_space<vmem>>
      %dma_start3A_12 = tpu.memref_squeeze %dma_start3A_11 : memref<1x128xi32, #tpu.memory_space<vmem>> -> memref<128xi32, #tpu.memory_space<vmem>>
      %dma_start3A_13 = arith.constant 0 : i32
      %dma_start3A_14 = arith.constant 0 : i32
      %dma_start3A_15 = tpu.memref_slice %arg2[%dma_start3A_13, %dma_start3A_14] : memref<16384x128xf32, #tpu.memory_space<hbm>> -> memref<16384x128xf32, #tpu.memory_space<hbm>>
      tpu.enqueue_indirect_dma source(%dma_start3A_15 : memref<16384x128xf32, #tpu.memory_space<hbm>>) target(%arg6 : memref<128x128xf32, #tpu.memory_space<vmem>>) offsets(%dma_start3A_12 : memref<128xi32, #tpu.memory_space<vmem>>) semaphore(%arg8 : memref<!tpu.dma_semaphore, #tpu.memory_space<semaphore_mem>>)
      %add3A_16 = arith.constant 1 : i32
      %add3A_17 = arith.addi %mul3A_10, %add3A_16 : i32
      %dma_start3A_18 = arith.constant 0 : i32
      %dma_start3A_19 = tpu.memref_slice %arg5[%add3A_17, %dma_start3A_18] : memref<32x128xi32, #tpu.memory_space<vmem>> -> memref<1x128xi32, #tpu.memory_space<vmem>>
      %dma_start3A_20 = tpu.memref_squeeze %dma_start3A_19 : memref<1x128xi32, #tpu.memory_space<vmem>> -> memref<128xi32, #tpu.memory_space<vmem>>
      %dma_start3A_21 = arith.constant 0 : i32
      %dma_start3A_22 = arith.constant 0 : i32
      %dma_start3A_23 = tpu.memref_slice %arg2[%dma_start3A_21, %dma_start3A_22] : memref<16384x128xf32, #tpu.memory_space<hbm>> -> memref<16384x128xf32, #tpu.memory_space<hbm>>
      tpu.enqueue_indirect_dma source(%dma_start3A_23 : memref<16384x128xf32, #tpu.memory_space<hbm>>) target(%arg7 : memref<128x128xf32, #tpu.memory_space<vmem>>) offsets(%dma_start3A_20 : memref<128xi32, #tpu.memory_space<vmem>>) semaphore(%arg9 : memref<!tpu.dma_semaphore, #tpu.memory_space<semaphore_mem>>)
      %dma_wait3A = arith.constant 0 : i32
      %dma_wait3A_24 = tpu.memref_slice %arg5[%mul3A_10, %dma_wait3A] : memref<32x128xi32, #tpu.memory_space<vmem>> -> memref<1x128xi32, #tpu.memory_space<vmem>>
      %dma_wait3A_25 = tpu.memref_squeeze %dma_wait3A_24 : memref<1x128xi32, #tpu.memory_space<vmem>> -> memref<128xi32, #tpu.memory_space<vmem>>
      %dma_wait3A_26 = arith.constant 0 : i32
      %dma_wait3A_27 = arith.constant 0 : i32
      %dma_wait3A_28 = tpu.memref_slice %arg2[%dma_wait3A_26, %dma_wait3A_27] : memref<16384x128xf32, #tpu.memory_space<hbm>> -> memref<16384x128xf32, #tpu.memory_space<hbm>>
      tpu.wait_indirect_dma semaphore(%arg8 : memref<!tpu.dma_semaphore, #tpu.memory_space<semaphore_mem>>) src(%dma_wait3A_28 : memref<16384x128xf32, #tpu.memory_space<hbm>>) dst(%arg6 : memref<128x128xf32, #tpu.memory_space<vmem>>)
      %mul3A_29 = arith.constant 128 : i32
      %mul3A_30 = arith.muli %mul3A_10, %mul3A_29 : i32
      %add3A_31 = arith.addi %mul3A_2, %mul3A_30 : i32
      "tpu.region"() ({
        %run_scoped3A = tpu.sem_alloc : memref<!tpu.dma_semaphore, #tpu.memory_space<semaphore_mem>>
        %dma_start3A_43 = arith.constant 0 : i32
        %dma_start3A_44 = tpu.memref_slice %arg4[%add3A_31, %dma_start3A_43] : memref<131072x128xf32, #tpu.memory_space<hbm>> -> memref<128x128xf32, #tpu.memory_space<hbm>>
        %dma_start3A_45 = arith.constant 0 : i32
        %dma_start3A_46 = tpu.memref_slice %arg4[%add3A_31, %dma_start3A_45] : memref<131072x128xf32, #tpu.memory_space<hbm>> -> memref<128x128xf32, #tpu.memory_space<hbm>>
        tpu.enqueue_dma source(%arg6 : memref<128x128xf32, #tpu.memory_space<vmem>>) target(%dma_start3A_46 : memref<128x128xf32, #tpu.memory_space<hbm>>) target_semaphore(%run_scoped3A : memref<!tpu.dma_semaphore, #tpu.memory_space<semaphore_mem>>)
        %dma_wait3A_47 = arith.constant 0 : i32
        %dma_wait3A_48 = tpu.memref_slice %arg4[%add3A_31, %dma_wait3A_47] : memref<131072x128xf32, #tpu.memory_space<hbm>> -> memref<128x128xf32, #tpu.memory_space<hbm>>
        %dma_wait3A_49 = arith.constant 0 : i32
        %dma_wait3A_50 = tpu.memref_slice %arg4[%add3A_31, %dma_wait3A_49] : memref<131072x128xf32, #tpu.memory_space<hbm>> -> memref<128x128xf32, #tpu.memory_space<hbm>>
        tpu.wait_dma2 semaphore(%run_scoped3A : memref<!tpu.dma_semaphore, #tpu.memory_space<semaphore_mem>>) src(%arg6 : memref<128x128xf32, #tpu.memory_space<vmem>>) dst(%dma_wait3A_50 : memref<128x128xf32, #tpu.memory_space<hbm>>)
        tpu.yield
      }) : () -> ()
      %dma_wait3A_32 = arith.constant 0 : i32
      %dma_wait3A_33 = tpu.memref_slice %arg5[%add3A_17, %dma_wait3A_32] : memref<32x128xi32, #tpu.memory_space<vmem>> -> memref<1x128xi32, #tpu.memory_space<vmem>>
      %dma_wait3A_34 = tpu.memref_squeeze %dma_wait3A_33 : memref<1x128xi32, #tpu.memory_space<vmem>> -> memref<128xi32, #tpu.memory_space<vmem>>
      %dma_wait3A_35 = arith.constant 0 : i32
      %dma_wait3A_36 = arith.constant 0 : i32
      %dma_wait3A_37 = tpu.memref_slice %arg2[%dma_wait3A_35, %dma_wait3A_36] : memref<16384x128xf32, #tpu.memory_space<hbm>> -> memref<16384x128xf32, #tpu.memory_space<hbm>>
      tpu.wait_indirect_dma semaphore(%arg9 : memref<!tpu.dma_semaphore, #tpu.memory_space<semaphore_mem>>) src(%dma_wait3A_37 : memref<16384x128xf32, #tpu.memory_space<hbm>>) dst(%arg7 : memref<128x128xf32, #tpu.memory_space<vmem>>)
      %add3A_38 = arith.constant 1 : i32
      %add3A_39 = arith.addi %mul3A_10, %add3A_38 : i32
      %mul3A_40 = arith.constant 128 : i32
      %mul3A_41 = arith.muli %add3A_39, %mul3A_40 : i32
      %add3A_42 = arith.addi %mul3A_2, %mul3A_41 : i32
      "tpu.region"() ({
        %run_scoped3A = tpu.sem_alloc : memref<!tpu.dma_semaphore, #tpu.memory_space<semaphore_mem>>
        %dma_start3A_43 = arith.constant 0 : i32
        %dma_start3A_44 = tpu.memref_slice %arg4[%add3A_42, %dma_start3A_43] : memref<131072x128xf32, #tpu.memory_space<hbm>> -> memref<128x128xf32, #tpu.memory_space<hbm>>
        %dma_start3A_45 = arith.constant 0 : i32
        %dma_start3A_46 = tpu.memref_slice %arg4[%add3A_42, %dma_start3A_45] : memref<131072x128xf32, #tpu.memory_space<hbm>> -> memref<128x128xf32, #tpu.memory_space<hbm>>
        tpu.enqueue_dma source(%arg7 : memref<128x128xf32, #tpu.memory_space<vmem>>) target(%dma_start3A_46 : memref<128x128xf32, #tpu.memory_space<hbm>>) target_semaphore(%run_scoped3A : memref<!tpu.dma_semaphore, #tpu.memory_space<semaphore_mem>>)
        %dma_wait3A_47 = arith.constant 0 : i32
        %dma_wait3A_48 = tpu.memref_slice %arg4[%add3A_42, %dma_wait3A_47] : memref<131072x128xf32, #tpu.memory_space<hbm>> -> memref<128x128xf32, #tpu.memory_space<hbm>>
        %dma_wait3A_49 = arith.constant 0 : i32
        %dma_wait3A_50 = tpu.memref_slice %arg4[%add3A_42, %dma_wait3A_49] : memref<131072x128xf32, #tpu.memory_space<hbm>> -> memref<128x128xf32, #tpu.memory_space<hbm>>
        tpu.wait_dma2 semaphore(%run_scoped3A : memref<!tpu.dma_semaphore, #tpu.memory_space<semaphore_mem>>) src(%arg7 : memref<128x128xf32, #tpu.memory_space<vmem>>) dst(%dma_wait3A_50 : memref<128x128xf32, #tpu.memory_space<hbm>>)
        tpu.yield
      }) : () -> ()
    }
    %scan3A_7 = arith.constant 16 : i32
    return
  }
}

module attributes {stable_mosaic.version = 14 : i64} {
  func.func @_fps_kernel(%arg0: memref<8x2048xf32, #tpu.memory_space<vmem>>, %arg1: memref<8x2048xf32, #tpu.memory_space<vmem>>, %arg2: memref<8x2048xf32, #tpu.memory_space<vmem>>, %arg3: memref<8x512xi32, #tpu.memory_space<vmem>>, %arg4: memref<8x512xf32, #tpu.memory_space<vmem>>, %arg5: memref<8x512xf32, #tpu.memory_space<vmem>>, %arg6: memref<8x512xf32, #tpu.memory_space<vmem>>, %arg7: memref<8x2048xf32, #tpu.memory_space<vmem>>) attributes {dimension_semantics = [], scalar_prefetch = 0 : i64, scratch_operands = 1 : i64, tpu.core_type = #tpu.core_type<tc>} {
    %iota3A = tpu.iota {dimensions = array<i32: 1>} : vector<8x2048xi32>
    %iota3A_0 = tpu.iota {dimensions = array<i32: 1>} : vector<8x512xi32>
    %broadcast_in_dim3A = arith.constant 1.000000e+10 : f32
    %broadcast_in_dim3A_1 = vector.broadcast %broadcast_in_dim3A : f32 to vector<8x2048xf32>
    %swap3A = arith.constant 0 : index
    %swap3A_2 = arith.constant 0 : index
    %swap3A_3 = vector.load %arg7[%swap3A, %swap3A_2] : memref<8x2048xf32, #tpu.memory_space<vmem>>, vector<8x2048xf32>
    tpu.vector_store %arg7[%swap3A, %swap3A_2], %broadcast_in_dim3A_1 {strides = array<i32>} : memref<8x2048xf32, #tpu.memory_space<vmem>>, vector<8x2048xf32>,
    %broadcast_in_dim3A_4 = arith.constant 0 : i32
    %broadcast_in_dim3A_5 = vector.broadcast %broadcast_in_dim3A_4 : i32 to vector<8x512xi32>
    %swap3A_6 = arith.constant 0 : index
    %swap3A_7 = arith.constant 0 : index
    %swap3A_8 = vector.load %arg3[%swap3A_6, %swap3A_7] : memref<8x512xi32, #tpu.memory_space<vmem>>, vector<8x512xi32>
    tpu.vector_store %arg3[%swap3A_6, %swap3A_7], %broadcast_in_dim3A_5 {strides = array<i32>} : memref<8x512xi32, #tpu.memory_space<vmem>>, vector<8x512xi32>,
    %broadcast_in_dim3A_9 = arith.constant 0.000000e+00 : f32
    %broadcast_in_dim3A_10 = vector.broadcast %broadcast_in_dim3A_9 : f32 to vector<8x512xf32>
    %swap3A_11 = arith.constant 0 : index
    %swap3A_12 = arith.constant 0 : index
    %swap3A_13 = vector.load %arg4[%swap3A_11, %swap3A_12] : memref<8x512xf32, #tpu.memory_space<vmem>>, vector<8x512xf32>
    tpu.vector_store %arg4[%swap3A_11, %swap3A_12], %broadcast_in_dim3A_10 {strides = array<i32>} : memref<8x512xf32, #tpu.memory_space<vmem>>, vector<8x512xf32>,
    %broadcast_in_dim3A_14 = arith.constant 0.000000e+00 : f32
    %broadcast_in_dim3A_15 = vector.broadcast %broadcast_in_dim3A_14 : f32 to vector<8x512xf32>
    %swap3A_16 = arith.constant 0 : index
    %swap3A_17 = arith.constant 0 : index
    %swap3A_18 = vector.load %arg5[%swap3A_16, %swap3A_17] : memref<8x512xf32, #tpu.memory_space<vmem>>, vector<8x512xf32>
    tpu.vector_store %arg5[%swap3A_16, %swap3A_17], %broadcast_in_dim3A_15 {strides = array<i32>} : memref<8x512xf32, #tpu.memory_space<vmem>>, vector<8x512xf32>,
    %broadcast_in_dim3A_19 = arith.constant 0.000000e+00 : f32
    %broadcast_in_dim3A_20 = vector.broadcast %broadcast_in_dim3A_19 : f32 to vector<8x512xf32>
    %swap3A_21 = arith.constant 0 : index
    %swap3A_22 = arith.constant 0 : index
    %swap3A_23 = vector.load %arg6[%swap3A_21, %swap3A_22] : memref<8x512xf32, #tpu.memory_space<vmem>>, vector<8x512xf32>
    tpu.vector_store %arg6[%swap3A_21, %swap3A_22], %broadcast_in_dim3A_20 {strides = array<i32>} : memref<8x512xf32, #tpu.memory_space<vmem>>, vector<8x512xf32>,
    %scan3A = arith.constant 0 : i32
    %scan3A_24 = arith.constant 512 : i32
    %scan3A_25 = arith.addi %scan3A, %scan3A_24 : i32
    %scan3A_26 = arith.constant 1 : i32
    scf.for %scan3A_28 = %scan3A to %scan3A_25 step %scan3A_26  : i32 {
      %get3A = arith.constant 0 : index
      %get3A_29 = arith.constant 0 : index
      %get3A_30 = vector.load %arg7[%get3A, %get3A_29] : memref<8x2048xf32, #tpu.memory_space<vmem>>, vector<8x2048xf32>
      %reduce_max3A = arith.constant dense<0xFF800000> : vector<8xf32>
      %reduce_max3A_31 = vector.multi_reduction <maximumf>, %get3A_30, %reduce_max3A [1] : vector<8x2048xf32> to vector<8xf32>
      %broadcast_in_dim3A_32 = vector.shape_cast %reduce_max3A_31 : vector<8xf32> to vector<8x1xf32>
      %eq3A = vector.broadcast %broadcast_in_dim3A_32 : vector<8x1xf32> to vector<8x2048xf32>
      %eq3A_33 = arith.cmpf oeq, %get3A_30, %eq3A : vector<8x2048xf32>
      %jit3A = arith.constant 2048 : i32
      %broadcast_in_dim3A_34 = vector.broadcast %jit3A : i32 to vector<8x2048xi32>
      %select_n3A = arith.select %eq3A_33, %iota3A, %broadcast_in_dim3A_34 : vector<8x2048xi1>, vector<8x2048xi32>
      %reduce_min3A = arith.constant dense<2147483647> : vector<8xi32>
      %reduce_min3A_35 = vector.multi_reduction <minsi>, %select_n3A, %reduce_min3A [1] : vector<8x2048xi32> to vector<8xi32>
      %broadcast_in_dim3A_36 = vector.shape_cast %reduce_min3A_35 : vector<8xi32> to vector<8x1xi32>
      %get3A_37 = arith.constant 0 : index
      %get3A_38 = arith.constant 0 : index
      %get3A_39 = vector.load %arg0[%get3A_37, %get3A_38] : memref<8x2048xf32, #tpu.memory_space<vmem>>, vector<8x2048xf32>
      %get3A_40 = arith.constant 0 : index
      %get3A_41 = arith.constant 0 : index
      %get3A_42 = vector.load %arg1[%get3A_40, %get3A_41] : memref<8x2048xf32, #tpu.memory_space<vmem>>, vector<8x2048xf32>
      %get3A_43 = arith.constant 0 : index
      %get3A_44 = arith.constant 0 : index
      %get3A_45 = vector.load %arg2[%get3A_43, %get3A_44] : memref<8x2048xf32, #tpu.memory_space<vmem>>, vector<8x2048xf32>
      %eq3A_46 = vector.broadcast %broadcast_in_dim3A_36 : vector<8x1xi32> to vector<8x2048xi32>
      %eq3A_47 = arith.cmpi eq, %iota3A, %eq3A_46 : vector<8x2048xi32>
      %jit3A_48 = arith.constant 0.000000e+00 : f32
      %broadcast_in_dim3A_49 = vector.broadcast %jit3A_48 : f32 to vector<8x2048xf32>
      %select_n3A_50 = arith.select %eq3A_47, %get3A_39, %broadcast_in_dim3A_49 : vector<8x2048xi1>, vector<8x2048xf32>
      %reduce_sum3A = arith.constant dense<0.000000e+00> : vector<8xf32>
      %reduce_sum3A_51 = vector.multi_reduction <add>, %select_n3A_50, %reduce_sum3A [1] : vector<8x2048xf32> to vector<8xf32>
      %broadcast_in_dim3A_52 = vector.shape_cast %reduce_sum3A_51 : vector<8xf32> to vector<8x1xf32>
      %jit3A_53 = arith.constant 0.000000e+00 : f32
      %broadcast_in_dim3A_54 = vector.broadcast %jit3A_53 : f32 to vector<8x2048xf32>
      %select_n3A_55 = arith.select %eq3A_47, %get3A_42, %broadcast_in_dim3A_54 : vector<8x2048xi1>, vector<8x2048xf32>
      %reduce_sum3A_56 = arith.constant dense<0.000000e+00> : vector<8xf32>
      %reduce_sum3A_57 = vector.multi_reduction <add>, %select_n3A_55, %reduce_sum3A_56 [1] : vector<8x2048xf32> to vector<8xf32>
      %broadcast_in_dim3A_58 = vector.shape_cast %reduce_sum3A_57 : vector<8xf32> to vector<8x1xf32>
      %jit3A_59 = arith.constant 0.000000e+00 : f32
      %broadcast_in_dim3A_60 = vector.broadcast %jit3A_59 : f32 to vector<8x2048xf32>
      %select_n3A_61 = arith.select %eq3A_47, %get3A_45, %broadcast_in_dim3A_60 : vector<8x2048xi1>, vector<8x2048xf32>
      %reduce_sum3A_62 = arith.constant dense<0.000000e+00> : vector<8xf32>
      %reduce_sum3A_63 = vector.multi_reduction <add>, %select_n3A_61, %reduce_sum3A_62 [1] : vector<8x2048xf32> to vector<8xf32>
      %broadcast_in_dim3A_64 = vector.shape_cast %reduce_sum3A_63 : vector<8xf32> to vector<8x1xf32>
      %eq3A_65 = vector.broadcast %scan3A_28 : i32 to vector<8x512xi32>
      %eq3A_66 = arith.cmpi eq, %iota3A_0, %eq3A_65 : vector<8x512xi32>
      %broadcast_in_dim3A_67 = vector.shape_cast %broadcast_in_dim3A_36 : vector<8x1xi32> to vector<8x1xi32>
      %broadcast_in_dim3A_68 = vector.broadcast %broadcast_in_dim3A_67 : vector<8x1xi32> to vector<8x512xi32>
      %get3A_69 = arith.constant 0 : index
      %get3A_70 = arith.constant 0 : index
      %get3A_71 = vector.load %arg3[%get3A_69, %get3A_70] : memref<8x512xi32, #tpu.memory_space<vmem>>, vector<8x512xi32>
      %select_n3A_72 = arith.select %eq3A_66, %broadcast_in_dim3A_68, %get3A_71 : vector<8x512xi1>, vector<8x512xi32>
      %swap3A_73 = arith.constant 0 : index
      %swap3A_74 = arith.constant 0 : index
      %swap3A_75 = vector.load %arg3[%swap3A_73, %swap3A_74] : memref<8x512xi32, #tpu.memory_space<vmem>>, vector<8x512xi32>
      tpu.vector_store %arg3[%swap3A_73, %swap3A_74], %select_n3A_72 {strides = array<i32>} : memref<8x512xi32, #tpu.memory_space<vmem>>, vector<8x512xi32>,
      %broadcast_in_dim3A_76 = vector.shape_cast %broadcast_in_dim3A_52 : vector<8x1xf32> to vector<8x1xf32>
      %broadcast_in_dim3A_77 = vector.broadcast %broadcast_in_dim3A_76 : vector<8x1xf32> to vector<8x512xf32>
      %get3A_78 = arith.constant 0 : index
      %get3A_79 = arith.constant 0 : index
      %get3A_80 = vector.load %arg4[%get3A_78, %get3A_79] : memref<8x512xf32, #tpu.memory_space<vmem>>, vector<8x512xf32>
      %select_n3A_81 = arith.select %eq3A_66, %broadcast_in_dim3A_77, %get3A_80 : vector<8x512xi1>, vector<8x512xf32>
      %swap3A_82 = arith.constant 0 : index
      %swap3A_83 = arith.constant 0 : index
      %swap3A_84 = vector.load %arg4[%swap3A_82, %swap3A_83] : memref<8x512xf32, #tpu.memory_space<vmem>>, vector<8x512xf32>
      tpu.vector_store %arg4[%swap3A_82, %swap3A_83], %select_n3A_81 {strides = array<i32>} : memref<8x512xf32, #tpu.memory_space<vmem>>, vector<8x512xf32>,
      %broadcast_in_dim3A_85 = vector.shape_cast %broadcast_in_dim3A_58 : vector<8x1xf32> to vector<8x1xf32>
      %broadcast_in_dim3A_86 = vector.broadcast %broadcast_in_dim3A_85 : vector<8x1xf32> to vector<8x512xf32>
      %get3A_87 = arith.constant 0 : index
      %get3A_88 = arith.constant 0 : index
      %get3A_89 = vector.load %arg5[%get3A_87, %get3A_88] : memref<8x512xf32, #tpu.memory_space<vmem>>, vector<8x512xf32>
      %select_n3A_90 = arith.select %eq3A_66, %broadcast_in_dim3A_86, %get3A_89 : vector<8x512xi1>, vector<8x512xf32>
      %swap3A_91 = arith.constant 0 : index
      %swap3A_92 = arith.constant 0 : index
      %swap3A_93 = vector.load %arg5[%swap3A_91, %swap3A_92] : memref<8x512xf32, #tpu.memory_space<vmem>>, vector<8x512xf32>
      tpu.vector_store %arg5[%swap3A_91, %swap3A_92], %select_n3A_90 {strides = array<i32>} : memref<8x512xf32, #tpu.memory_space<vmem>>, vector<8x512xf32>,
      %broadcast_in_dim3A_94 = vector.shape_cast %broadcast_in_dim3A_64 : vector<8x1xf32> to vector<8x1xf32>
      %broadcast_in_dim3A_95 = vector.broadcast %broadcast_in_dim3A_94 : vector<8x1xf32> to vector<8x512xf32>
      %get3A_96 = arith.constant 0 : index
      %get3A_97 = arith.constant 0 : index
      %get3A_98 = vector.load %arg6[%get3A_96, %get3A_97] : memref<8x512xf32, #tpu.memory_space<vmem>>, vector<8x512xf32>
      %select_n3A_99 = arith.select %eq3A_66, %broadcast_in_dim3A_95, %get3A_98 : vector<8x512xi1>, vector<8x512xf32>
      %swap3A_100 = arith.constant 0 : index
      %swap3A_101 = arith.constant 0 : index
      %swap3A_102 = vector.load %arg6[%swap3A_100, %swap3A_101] : memref<8x512xf32, #tpu.memory_space<vmem>>, vector<8x512xf32>
      tpu.vector_store %arg6[%swap3A_100, %swap3A_101], %select_n3A_99 {strides = array<i32>} : memref<8x512xf32, #tpu.memory_space<vmem>>, vector<8x512xf32>,
      %sub3A = vector.broadcast %broadcast_in_dim3A_52 : vector<8x1xf32> to vector<8x2048xf32>
      %sub3A_103 = arith.subf %get3A_39, %sub3A : vector<8x2048xf32>
      %sub3A_104 = vector.broadcast %broadcast_in_dim3A_58 : vector<8x1xf32> to vector<8x2048xf32>
      %sub3A_105 = arith.subf %get3A_42, %sub3A_104 : vector<8x2048xf32>
      %sub3A_106 = vector.broadcast %broadcast_in_dim3A_64 : vector<8x1xf32> to vector<8x2048xf32>
      %sub3A_107 = arith.subf %get3A_45, %sub3A_106 : vector<8x2048xf32>
      %mul3A = arith.mulf %sub3A_103, %sub3A_103 : vector<8x2048xf32>
      %mul3A_108 = arith.mulf %sub3A_105, %sub3A_105 : vector<8x2048xf32>
      %add3A = arith.addf %mul3A, %mul3A_108 : vector<8x2048xf32>
      %mul3A_109 = arith.mulf %sub3A_107, %sub3A_107 : vector<8x2048xf32>
      %add3A_110 = arith.addf %add3A, %mul3A_109 : vector<8x2048xf32>
      %min3A = arith.minimumf %get3A_30, %add3A_110 : vector<8x2048xf32>
      %swap3A_111 = arith.constant 0 : index
      %swap3A_112 = arith.constant 0 : index
      %swap3A_113 = vector.load %arg7[%swap3A_111, %swap3A_112] : memref<8x2048xf32, #tpu.memory_space<vmem>>, vector<8x2048xf32>
      tpu.vector_store %arg7[%swap3A_111, %swap3A_112], %min3A {strides = array<i32>} : memref<8x2048xf32, #tpu.memory_space<vmem>>, vector<8x2048xf32>,
    }
    %scan3A_27 = arith.constant 512 : i32
    return
  }
}

module attributes {stable_mosaic.version = 14 : i64} {
  func.func @_density_kernel(%arg0: i32, %arg1: i32, %arg2: memref<1x1x128x3xf32, #tpu.memory_space<vmem>>, %arg3: memref<1x3x2048xf32, #tpu.memory_space<vmem>>, %arg4: memref<1x128x1xf32, #tpu.memory_space<vmem>>) attributes {dimension_semantics = [#tpu.dimension_semantics<arbitrary>, #tpu.dimension_semantics<arbitrary>], iteration_bounds = array<i64: 8, 16>, scalar_prefetch = 0 : i64, scratch_operands = 0 : i64, tpu.core_type = #tpu.core_type<tc>, window_params = [{transform_indices = @transform_0, window_bounds = array<i64: 1, 1, 128, 3>}, {transform_indices = @transform_1, window_bounds = array<i64: 1, 3, 2048>}, {transform_indices = @transform_2, window_bounds = array<i64: 1, 128, 1>}]} {
    %get3A = arith.constant 0 : index
    %get3A_0 = arith.constant 0 : index
    %get3A_1 = arith.constant 0 : index
    %get3A_2 = arith.constant 0 : index
    %get3A_3 = vector.load %arg2[%get3A, %get3A_0, %get3A_1, %get3A_2] : memref<1x1x128x3xf32, #tpu.memory_space<vmem>>, vector<1x1x128x3xf32>
    %get3A_4 = vector.shape_cast %get3A_3 : vector<1x1x128x3xf32> to vector<128x3xf32>
    %get3A_5 = arith.constant 0 : index
    %get3A_6 = arith.constant 0 : index
    %get3A_7 = arith.constant 0 : index
    %get3A_8 = vector.load %arg3[%get3A_5, %get3A_6, %get3A_7] : memref<1x3x2048xf32, #tpu.memory_space<vmem>>, vector<1x3x2048xf32>
    %get3A_9 = vector.shape_cast %get3A_8 : vector<1x3x2048xf32> to vector<3x2048xf32>
    %dot_general3A = arith.constant dense<0.000000e+00> : vector<128x2048xf32>
    %dot_general3A_10 = tpu.matmul %get3A_4, %get3A_9, %dot_general3A {dimension_numbers = #tpu.dot_dimension_numbers<[1], [0], [0], [1], [0, 0, 1, 1], [], []>, transpose_lhs_hint = false} : vector<128x3xf32>, vector<3x2048xf32>, vector<128x2048xf32> -> vector<128x2048xf32>
    %mul3A = arith.mulf %get3A_4, %get3A_4 : vector<128x3xf32>
    %reduce_sum3A = arith.constant dense<0.000000e+00> : vector<128xf32>
    %reduce_sum3A_11 = vector.multi_reduction <add>, %mul3A, %reduce_sum3A [1] : vector<128x3xf32> to vector<128xf32>
    %broadcast_in_dim3A = vector.shape_cast %reduce_sum3A_11 : vector<128xf32> to vector<128x1xf32>
    %mul3A_12 = arith.mulf %get3A_9, %get3A_9 : vector<3x2048xf32>
    %reduce_sum3A_13 = arith.constant dense<0.000000e+00> : vector<2048xf32>
    %reduce_sum3A_14 = vector.multi_reduction <add>, %mul3A_12, %reduce_sum3A_13 [0] : vector<3x2048xf32> to vector<2048xf32>
    %broadcast_in_dim3A_15 = vector.shape_cast %reduce_sum3A_14 : vector<2048xf32> to vector<1x2048xf32>
    %mul3A_16 = arith.constant -2.000000e+00 : f32
    %mul3A_17 = vector.broadcast %mul3A_16 : f32 to vector<128x2048xf32>
    %mul3A_18 = arith.mulf %mul3A_17, %dot_general3A_10 : vector<128x2048xf32>
    %add3A = vector.broadcast %broadcast_in_dim3A : vector<128x1xf32> to vector<128x2048xf32>
    %add3A_19 = arith.addf %mul3A_18, %add3A : vector<128x2048xf32>
    %add3A_20 = vector.broadcast %broadcast_in_dim3A_15 : vector<1x2048xf32> to vector<128x2048xf32>
    %add3A_21 = arith.addf %add3A_19, %add3A_20 : vector<128x2048xf32>
    %neg3A = arith.constant 0.000000e+00 : f32
    %neg3A_22 = vector.broadcast %neg3A : f32 to vector<128x2048xf32>
    %neg3A_23 = arith.subf %neg3A_22, %add3A_21 : vector<128x2048xf32>
    %div3A = arith.constant 2.000000e-02 : f32
    %div3A_24 = vector.broadcast %div3A : f32 to vector<128x2048xf32>
    %div3A_25 = arith.divf %neg3A_23, %div3A_24 : vector<128x2048xf32>
    %exp3A = math.exp %div3A_25 : vector<128x2048xf32>
    %div3A_26 = arith.constant 2.500000e-01 : f32
    %div3A_27 = vector.broadcast %div3A_26 : f32 to vector<128x2048xf32>
    %div3A_28 = arith.divf %exp3A, %div3A_27 : vector<128x2048xf32>
    %reduce_sum3A_29 = arith.constant dense<0.000000e+00> : vector<128xf32>
    %reduce_sum3A_30 = vector.multi_reduction <add>, %div3A_28, %reduce_sum3A_29 [1] : vector<128x2048xf32> to vector<128xf32>
    %broadcast_in_dim3A_31 = vector.shape_cast %reduce_sum3A_30 : vector<128xf32> to vector<128x1xf32>
    %div3A_32 = arith.constant 2.048000e+03 : f32
    %div3A_33 = vector.broadcast %div3A_32 : f32 to vector<128x1xf32>
    %div3A_34 = arith.divf %broadcast_in_dim3A_31, %div3A_33 : vector<128x1xf32>
    %broadcast_in_dim3A_35 = vector.shape_cast %div3A_34 : vector<128x1xf32> to vector<1x128x1xf32>
    %swap3A = arith.constant 0 : index
    %swap3A_36 = arith.constant 0 : index
    %swap3A_37 = arith.constant 0 : index
    %swap3A_38 = vector.load %arg4[%swap3A, %swap3A_36, %swap3A_37] : memref<1x128x1xf32, #tpu.memory_space<vmem>>, vector<1x128x1xf32>
    tpu.vector_store %arg4[%swap3A, %swap3A_36, %swap3A_37], %broadcast_in_dim3A_35 {strides = array<i32>} : memref<1x128x1xf32, #tpu.memory_space<vmem>>, vector<1x128x1xf32>,
    return
  }
  func.func @transform_0(%arg0: i32, %arg1: i32) -> (i32, i32, i32, i32) {
    %c0_i32 = arith.constant 0 : i32
    %c0_i32_0 = arith.constant 0 : i32
    %c0_i32_1 = arith.constant 0 : i32
    return %arg0, %arg1, %c0_i32, %c0_i32_0 : i32, i32, i32, i32
  }
  func.func @transform_1(%arg0: i32, %arg1: i32) -> (i32, i32, i32) {
    %c0_i32 = arith.constant 0 : i32
    %c0_i32_0 = arith.constant 0 : i32
    %c0_i32_1 = arith.constant 0 : i32
    return %arg0, %c0_i32, %c0_i32_0 : i32, i32, i32
  }
  func.func @transform_2(%arg0: i32, %arg1: i32) -> (i32, i32, i32) {
    %c0_i32 = arith.constant 0 : i32
    %c0_i32_0 = arith.constant 0 : i32
    return %arg0, %arg1, %c0_i32 : i32, i32, i32
  }
}

module attributes {stable_mosaic.version = 14 : i64} {
  func.func @_knn_kernel(%arg0: i32, %arg1: memref<1x512x3xf32, #tpu.memory_space<vmem>>, %arg2: memref<1x3x2048xf32, #tpu.memory_space<vmem>>, %arg3: memref<1x1x2048xf32, #tpu.memory_space<vmem>>, %arg4: memref<1x512x32xi32, #tpu.memory_space<vmem>>, %arg5: memref<1x512x1xf32, #tpu.memory_space<vmem>>) attributes {dimension_semantics = [#tpu.dimension_semantics<arbitrary>], iteration_bounds = array<i64: 8>, scalar_prefetch = 0 : i64, scratch_operands = 0 : i64, tpu.core_type = #tpu.core_type<tc>, window_params = [{transform_indices = @transform_0, window_bounds = array<i64: 1, 512, 3>}, {transform_indices = @transform_1, window_bounds = array<i64: 1, 3, 2048>}, {transform_indices = @transform_2, window_bounds = array<i64: 1, 1, 2048>}, {transform_indices = @transform_3, window_bounds = array<i64: 1, 512, 32>}, {transform_indices = @transform_4, window_bounds = array<i64: 1, 512, 1>}]} {
    %get3A = arith.constant 0 : index
    %get3A_0 = arith.constant 0 : index
    %get3A_1 = arith.constant 0 : index
    %get3A_2 = vector.load %arg1[%get3A, %get3A_0, %get3A_1] : memref<1x512x3xf32, #tpu.memory_space<vmem>>, vector<1x512x3xf32>
    %get3A_3 = vector.shape_cast %get3A_2 : vector<1x512x3xf32> to vector<512x3xf32>
    %get3A_4 = arith.constant 0 : index
    %get3A_5 = arith.constant 0 : index
    %get3A_6 = arith.constant 0 : index
    %get3A_7 = vector.load %arg2[%get3A_4, %get3A_5, %get3A_6] : memref<1x3x2048xf32, #tpu.memory_space<vmem>>, vector<1x3x2048xf32>
    %get3A_8 = vector.shape_cast %get3A_7 : vector<1x3x2048xf32> to vector<3x2048xf32>
    %get3A_9 = arith.constant 0 : index
    %get3A_10 = arith.constant 0 : index
    %get3A_11 = arith.constant 0 : index
    %get3A_12 = vector.load %arg3[%get3A_9, %get3A_10, %get3A_11] : memref<1x1x2048xf32, #tpu.memory_space<vmem>>, vector<1x1x2048xf32>
    %get3A_13 = vector.shape_cast %get3A_12 : vector<1x1x2048xf32> to vector<1x2048xf32>
    %dot_general3A = arith.constant dense<0.000000e+00> : vector<512x2048xf32>
    %dot_general3A_14 = tpu.matmul %get3A_3, %get3A_8, %dot_general3A {dimension_numbers = #tpu.dot_dimension_numbers<[1], [0], [0], [1], [0, 0, 1, 1], [], []>, transpose_lhs_hint = false} : vector<512x3xf32>, vector<3x2048xf32>, vector<512x2048xf32> -> vector<512x2048xf32>
    %mul3A = arith.mulf %get3A_3, %get3A_3 : vector<512x3xf32>
    %reduce_sum3A = arith.constant dense<0.000000e+00> : vector<512xf32>
    %reduce_sum3A_15 = vector.multi_reduction <add>, %mul3A, %reduce_sum3A [1] : vector<512x3xf32> to vector<512xf32>
    %broadcast_in_dim3A = vector.shape_cast %reduce_sum3A_15 : vector<512xf32> to vector<512x1xf32>
    %mul3A_16 = arith.mulf %get3A_8, %get3A_8 : vector<3x2048xf32>
    %reduce_sum3A_17 = arith.constant dense<0.000000e+00> : vector<2048xf32>
    %reduce_sum3A_18 = vector.multi_reduction <add>, %mul3A_16, %reduce_sum3A_17 [0] : vector<3x2048xf32> to vector<2048xf32>
    %broadcast_in_dim3A_19 = vector.shape_cast %reduce_sum3A_18 : vector<2048xf32> to vector<1x2048xf32>
    %mul3A_20 = arith.constant -2.000000e+00 : f32
    %mul3A_21 = vector.broadcast %mul3A_20 : f32 to vector<512x2048xf32>
    %mul3A_22 = arith.mulf %mul3A_21, %dot_general3A_14 : vector<512x2048xf32>
    %add3A = vector.broadcast %broadcast_in_dim3A : vector<512x1xf32> to vector<512x2048xf32>
    %add3A_23 = arith.addf %mul3A_22, %add3A : vector<512x2048xf32>
    %add3A_24 = vector.broadcast %broadcast_in_dim3A_19 : vector<1x2048xf32> to vector<512x2048xf32>
    %add3A_25 = arith.addf %add3A_23, %add3A_24 : vector<512x2048xf32>
    %iota3A = tpu.iota {dimensions = array<i32: 1>} : vector<512x2048xi32>
    %iota3A_26 = tpu.iota {dimensions = array<i32: 1>} : vector<512x32xi32>
    %broadcast_in_dim3A_27 = arith.constant 0 : i32
    %broadcast_in_dim3A_28 = vector.broadcast %broadcast_in_dim3A_27 : i32 to vector<1x512x32xi32>
    %swap3A = arith.constant 0 : index
    %swap3A_29 = arith.constant 0 : index
    %swap3A_30 = arith.constant 0 : index
    %swap3A_31 = vector.load %arg4[%swap3A, %swap3A_29, %swap3A_30] : memref<1x512x32xi32, #tpu.memory_space<vmem>>, vector<1x512x32xi32>
    tpu.vector_store %arg4[%swap3A, %swap3A_29, %swap3A_30], %broadcast_in_dim3A_28 {strides = array<i32>} : memref<1x512x32xi32, #tpu.memory_space<vmem>>, vector<1x512x32xi32>,
    %scan3A = arith.constant 0x7F800000 : f32
    %scan3A_32 = arith.constant 0 : i32
    %scan3A_33 = arith.constant 32 : i32
    %scan3A_34 = arith.addi %scan3A_32, %scan3A_33 : i32
    %scan3A_35 = arith.constant 1 : i32
    %scan3A_36 = scf.for %scan3A_50 = %scan3A_32 to %scan3A_34 step %scan3A_35 iter_args(%scan3A_51 = %add3A_25) -> (vector<512x2048xf32>)  : i32 {
      %reduce_min3A = arith.constant dense<0x7F800000> : vector<512xf32>
      %reduce_min3A_52 = vector.multi_reduction <minimumf>, %scan3A_51, %reduce_min3A [1] : vector<512x2048xf32> to vector<512xf32>
      %broadcast_in_dim3A_53 = vector.shape_cast %reduce_min3A_52 : vector<512xf32> to vector<512x1xf32>
      %eq3A_54 = vector.broadcast %broadcast_in_dim3A_53 : vector<512x1xf32> to vector<512x2048xf32>
      %eq3A_55 = arith.cmpf oeq, %scan3A_51, %eq3A_54 : vector<512x2048xf32>
      %jit3A_56 = arith.constant 2048 : i32
      %broadcast_in_dim3A_57 = vector.broadcast %jit3A_56 : i32 to vector<512x2048xi32>
      %select_n3A_58 = arith.select %eq3A_55, %iota3A, %broadcast_in_dim3A_57 : vector<512x2048xi1>, vector<512x2048xi32>
      %reduce_min3A_59 = arith.constant dense<2147483647> : vector<512xi32>
      %reduce_min3A_60 = vector.multi_reduction <minsi>, %select_n3A_58, %reduce_min3A_59 [1] : vector<512x2048xi32> to vector<512xi32>
      %broadcast_in_dim3A_61 = vector.shape_cast %reduce_min3A_60 : vector<512xi32> to vector<512x1xi32>
      %eq3A_62 = vector.broadcast %scan3A_50 : i32 to vector<512x32xi32>
      %eq3A_63 = arith.cmpi eq, %iota3A_26, %eq3A_62 : vector<512x32xi32>
      %mul3A_64 = arith.constant 2048 : i32
      %mul3A_65 = arith.muli %arg0, %mul3A_64 : i32
      %add3A_66 = vector.broadcast %mul3A_65 : i32 to vector<512x1xi32>
      %add3A_67 = arith.addi %broadcast_in_dim3A_61, %add3A_66 : vector<512x1xi32>
      %broadcast_in_dim3A_68 = vector.shape_cast %add3A_67 : vector<512x1xi32> to vector<512x1xi32>
      %broadcast_in_dim3A_69 = vector.broadcast %broadcast_in_dim3A_68 : vector<512x1xi32> to vector<512x32xi32>
      %get3A_70 = arith.constant 0 : index
      %get3A_71 = arith.constant 0 : index
      %get3A_72 = arith.constant 0 : index
      %get3A_73 = vector.load %arg4[%get3A_70, %get3A_71, %get3A_72] : memref<1x512x32xi32, #tpu.memory_space<vmem>>, vector<1x512x32xi32>
      %get3A_74 = vector.shape_cast %get3A_73 : vector<1x512x32xi32> to vector<512x32xi32>
      %select_n3A_75 = arith.select %eq3A_63, %broadcast_in_dim3A_69, %get3A_74 : vector<512x32xi1>, vector<512x32xi32>
      %broadcast_in_dim3A_76 = vector.shape_cast %select_n3A_75 : vector<512x32xi32> to vector<1x512x32xi32>
      %swap3A_77 = arith.constant 0 : index
      %swap3A_78 = arith.constant 0 : index
      %swap3A_79 = arith.constant 0 : index
      %swap3A_80 = vector.load %arg4[%swap3A_77, %swap3A_78, %swap3A_79] : memref<1x512x32xi32, #tpu.memory_space<vmem>>, vector<1x512x32xi32>
      tpu.vector_store %arg4[%swap3A_77, %swap3A_78, %swap3A_79], %broadcast_in_dim3A_76 {strides = array<i32>} : memref<1x512x32xi32, #tpu.memory_space<vmem>>, vector<1x512x32xi32>,
      %eq3A_81 = vector.broadcast %broadcast_in_dim3A_61 : vector<512x1xi32> to vector<512x2048xi32>
      %eq3A_82 = arith.cmpi eq, %iota3A, %eq3A_81 : vector<512x2048xi32>
      %broadcast_in_dim3A_83 = vector.broadcast %scan3A : f32 to vector<512x2048xf32>
      %select_n3A_84 = arith.select %eq3A_82, %broadcast_in_dim3A_83, %scan3A_51 : vector<512x2048xi1>, vector<512x2048xf32>
      scf.yield %select_n3A_84 : vector<512x2048xf32>
    }
    %scan3A_37 = arith.constant 32 : i32
    %eq3A = arith.constant 0x7F800000 : f32
    %eq3A_38 = vector.broadcast %eq3A : f32 to vector<512x2048xf32>
    %eq3A_39 = arith.cmpf oeq, %scan3A_36, %eq3A_38 : vector<512x2048xf32>
    %jit3A = arith.constant 0.000000e+00 : f32
    %broadcast_in_dim3A_40 = vector.shape_cast %get3A_13 : vector<1x2048xf32> to vector<1x2048xf32>
    %broadcast_in_dim3A_41 = vector.broadcast %broadcast_in_dim3A_40 : vector<1x2048xf32> to vector<512x2048xf32>
    %broadcast_in_dim3A_42 = vector.broadcast %jit3A : f32 to vector<512x2048xf32>
    %select_n3A = arith.select %eq3A_39, %broadcast_in_dim3A_41, %broadcast_in_dim3A_42 : vector<512x2048xi1>, vector<512x2048xf32>
    %reduce_max3A = arith.constant dense<0xFF800000> : vector<512xf32>
    %reduce_max3A_43 = vector.multi_reduction <maximumf>, %select_n3A, %reduce_max3A [1] : vector<512x2048xf32> to vector<512xf32>
    %broadcast_in_dim3A_44 = vector.shape_cast %reduce_max3A_43 : vector<512xf32> to vector<512x1xf32>
    %broadcast_in_dim3A_45 = vector.shape_cast %broadcast_in_dim3A_44 : vector<512x1xf32> to vector<1x512x1xf32>
    %swap3A_46 = arith.constant 0 : index
    %swap3A_47 = arith.constant 0 : index
    %swap3A_48 = arith.constant 0 : index
    %swap3A_49 = vector.load %arg5[%swap3A_46, %swap3A_47, %swap3A_48] : memref<1x512x1xf32, #tpu.memory_space<vmem>>, vector<1x512x1xf32>
    tpu.vector_store %arg5[%swap3A_46, %swap3A_47, %swap3A_48], %broadcast_in_dim3A_45 {strides = array<i32>} : memref<1x512x1xf32, #tpu.memory_space<vmem>>, vector<1x512x1xf32>,
    return
  }
  func.func @transform_0(%arg0: i32) -> (i32, i32, i32) {
    %c0_i32 = arith.constant 0 : i32
    %c0_i32_0 = arith.constant 0 : i32
    %c0_i32_1 = arith.constant 0 : i32
    return %arg0, %c0_i32, %c0_i32_0 : i32, i32, i32
  }
  func.func @transform_1(%arg0: i32) -> (i32, i32, i32) {
    %c0_i32 = arith.constant 0 : i32
    %c0_i32_0 = arith.constant 0 : i32
    %c0_i32_1 = arith.constant 0 : i32
    return %arg0, %c0_i32, %c0_i32_0 : i32, i32, i32
  }
  func.func @transform_2(%arg0: i32) -> (i32, i32, i32) {
    %c0_i32 = arith.constant 0 : i32
    %c0_i32_0 = arith.constant 0 : i32
    %c0_i32_1 = arith.constant 0 : i32
    return %arg0, %c0_i32, %c0_i32_0 : i32, i32, i32
  }
  func.func @transform_3(%arg0: i32) -> (i32, i32, i32) {
    %c0_i32 = arith.constant 0 : i32
    %c0_i32_0 = arith.constant 0 : i32
    %c0_i32_1 = arith.constant 0 : i32
    return %arg0, %c0_i32, %c0_i32_0 : i32, i32, i32
  }
  func.func @transform_4(%arg0: i32) -> (i32, i32, i32) {
    %c0_i32 = arith.constant 0 : i32
    %c0_i32_0 = arith.constant 0 : i32
    %c0_i32_1 = arith.constant 0 : i32
    return %arg0, %c0_i32, %c0_i32_0 : i32, i32, i32
  }
}

module attributes {stable_mosaic.version = 14 : i64} {
  func.func @_mlp_kernel(%arg0: i32, %arg1: i32, %arg2: memref<2048x128xf32, #tpu.memory_space<vmem>>, %arg3: memref<2048x3xf32, #tpu.memory_space<vmem>>, %arg4: memref<1x64x1xf32, #tpu.memory_space<vmem>>, %arg5: memref<2048x64xf32, #tpu.memory_space<vmem>>, %arg6: memref<67x64xf32, #tpu.memory_space<vmem>>, %arg7: memref<64x64xf32, #tpu.memory_space<vmem>>, %arg8: memref<64x128xf32, #tpu.memory_space<vmem>>, %arg9: memref<17x8xf32, #tpu.memory_space<vmem>>, %arg10: memref<3x8xf32, #tpu.memory_space<vmem>>, %arg11: memref<8x8xf32, #tpu.memory_space<vmem>>, %arg12: memref<8x16xf32, #tpu.memory_space<vmem>>, %arg13: memref<1x1024x128xf32, #tpu.memory_space<vmem>>) attributes {dimension_semantics = [#tpu.dimension_semantics<arbitrary>, #tpu.dimension_semantics<arbitrary>], iteration_bounds = array<i64: 8, 8>, scalar_prefetch = 0 : i64, scratch_operands = 0 : i64, tpu.core_type = #tpu.core_type<tc>, window_params = [{transform_indices = @transform_0, window_bounds = array<i64: 2048, 128>}, {transform_indices = @transform_1, window_bounds = array<i64: 2048, 3>}, {transform_indices = @transform_2, window_bounds = array<i64: 1, 64, 1>}, {pipeline_mode = #tpu.pipeline_mode<synchronous>, transform_indices = @transform_3, window_bounds = array<i64: 2048, 64>}, {pipeline_mode = #tpu.pipeline_mode<synchronous>, transform_indices = @transform_4, window_bounds = array<i64: 67, 64>}, {pipeline_mode = #tpu.pipeline_mode<synchronous>, transform_indices = @transform_5, window_bounds = array<i64: 64, 64>}, {pipeline_mode = #tpu.pipeline_mode<synchronous>, transform_indices = @transform_6, window_bounds = array<i64: 64, 128>}, {pipeline_mode = #tpu.pipeline_mode<synchronous>, transform_indices = @transform_7, window_bounds = array<i64: 17, 8>}, {pipeline_mode = #tpu.pipeline_mode<synchronous>, transform_indices = @transform_8, window_bounds = array<i64: 3, 8>}, {pipeline_mode = #tpu.pipeline_mode<synchronous>, transform_indices = @transform_9, window_bounds = array<i64: 8, 8>}, {pipeline_mode = #tpu.pipeline_mode<synchronous>, transform_indices = @transform_10, window_bounds = array<i64: 8, 16>}, {transform_indices = @transform_11, window_bounds = array<i64: 1, 1024, 128>}]} {
    %get3A = arith.constant 0 : index
    %get3A_0 = arith.constant 0 : index
    %get3A_1 = vector.load %arg2[%get3A, %get3A_0] : memref<2048x128xf32, #tpu.memory_space<vmem>>, vector<2048x128xf32>
    %slice3A = vector.extract_strided_slice %get3A_1 {offsets = [0, 0], sizes = [2048, 3], strides = [1, 1]} : vector<2048x128xf32> to vector<2048x3xf32>
    %get3A_2 = arith.constant 0 : index
    %get3A_3 = arith.constant 0 : index
    %get3A_4 = vector.load %arg3[%get3A_2, %get3A_3] : memref<2048x3xf32, #tpu.memory_space<vmem>>, vector<2048x3xf32>
    %sub3A = arith.subf %slice3A, %get3A_4 : vector<2048x3xf32>
    %slice3A_5 = vector.extract_strided_slice %get3A_1 {offsets = [0, 16], sizes = [2048, 64], strides = [1, 1]} : vector<2048x128xf32> to vector<2048x64xf32>
    %concatenate3A = tpu.concatenate %sub3A, %slice3A_5 in 1 : vector<2048x3xf32>, vector<2048x64xf32> -> vector<2048x67xf32>
    %get3A_6 = arith.constant 0 : index
    %get3A_7 = arith.constant 0 : index
    %get3A_8 = vector.load %arg6[%get3A_6, %get3A_7] : memref<67x64xf32, #tpu.memory_space<vmem>>, vector<67x64xf32>
    %dot_general3A = arith.constant dense<0.000000e+00> : vector<2048x64xf32>
    %dot_general3A_9 = tpu.matmul %concatenate3A, %get3A_8, %dot_general3A {dimension_numbers = #tpu.dot_dimension_numbers<[1], [0], [0], [1], [0, 0, 1, 1], [], []>, transpose_lhs_hint = false} : vector<2048x67xf32>, vector<67x64xf32>, vector<2048x64xf32> -> vector<2048x64xf32>
    %max3A = arith.constant 0.000000e+00 : f32
    %max3A_10 = vector.broadcast %max3A : f32 to vector<2048x64xf32>
    %max3A_11 = arith.maximumf %dot_general3A_9, %max3A_10 : vector<2048x64xf32>
    %get3A_12 = arith.constant 0 : index
    %get3A_13 = arith.constant 0 : index
    %get3A_14 = vector.load %arg7[%get3A_12, %get3A_13] : memref<64x64xf32, #tpu.memory_space<vmem>>, vector<64x64xf32>
    %dot_general3A_15 = arith.constant dense<0.000000e+00> : vector<2048x64xf32>
    %dot_general3A_16 = tpu.matmul %max3A_11, %get3A_14, %dot_general3A_15 {dimension_numbers = #tpu.dot_dimension_numbers<[1], [0], [0], [1], [0, 0, 1, 1], [], []>, transpose_lhs_hint = false} : vector<2048x64xf32>, vector<64x64xf32>, vector<2048x64xf32> -> vector<2048x64xf32>
    %max3A_17 = arith.constant 0.000000e+00 : f32
    %max3A_18 = vector.broadcast %max3A_17 : f32 to vector<2048x64xf32>
    %max3A_19 = arith.maximumf %dot_general3A_16, %max3A_18 : vector<2048x64xf32>
    %get3A_20 = arith.constant 0 : index
    %get3A_21 = arith.constant 0 : index
    %get3A_22 = vector.load %arg8[%get3A_20, %get3A_21] : memref<64x128xf32, #tpu.memory_space<vmem>>, vector<64x128xf32>
    %dot_general3A_23 = arith.constant dense<0.000000e+00> : vector<2048x128xf32>
    %dot_general3A_24 = tpu.matmul %max3A_19, %get3A_22, %dot_general3A_23 {dimension_numbers = #tpu.dot_dimension_numbers<[1], [0], [0], [1], [0, 0, 1, 1], [], []>, transpose_lhs_hint = false} : vector<2048x64xf32>, vector<64x128xf32>, vector<2048x128xf32> -> vector<2048x128xf32>
    %max3A_25 = arith.constant 0.000000e+00 : f32
    %max3A_26 = vector.broadcast %max3A_25 : f32 to vector<2048x128xf32>
    %max3A_27 = arith.maximumf %dot_general3A_24, %max3A_26 : vector<2048x128xf32>
    %slice3A_28 = vector.extract_strided_slice %get3A_1 {offsets = [0, 3], sizes = [2048, 1], strides = [1, 1]} : vector<2048x128xf32> to vector<2048x1xf32>
    %get3A_29 = arith.constant 0 : index
    %get3A_30 = arith.constant 0 : index
    %get3A_31 = vector.load %arg5[%get3A_29, %get3A_30] : memref<2048x64xf32, #tpu.memory_space<vmem>>, vector<2048x64xf32>
    %get3A_32 = arith.constant 0 : index
    %get3A_33 = arith.constant 0 : index
    %get3A_34 = arith.constant 0 : index
    %get3A_35 = vector.load %arg4[%get3A_32, %get3A_33, %get3A_34] : memref<1x64x1xf32, #tpu.memory_space<vmem>>, vector<1x64x1xf32>
    %get3A_36 = vector.shape_cast %get3A_35 : vector<1x64x1xf32> to vector<64x1xf32>
    %dot_general3A_37 = arith.constant dense<0.000000e+00> : vector<2048x1xf32>
    %dot_general3A_38 = tpu.matmul %get3A_31, %get3A_36, %dot_general3A_37 {dimension_numbers = #tpu.dot_dimension_numbers<[1], [0], [0], [1], [0, 0, 1, 1], [], []>, transpose_lhs_hint = false} : vector<2048x64xf32>, vector<64x1xf32>, vector<2048x1xf32> -> vector<2048x1xf32>
    %div3A = arith.divf %slice3A_28, %dot_general3A_38 : vector<2048x1xf32>
    %get3A_39 = arith.constant 0 : index
    %get3A_40 = arith.constant 0 : index
    %get3A_41 = vector.load %arg9[%get3A_39, %get3A_40] : memref<17x8xf32, #tpu.memory_space<vmem>>, vector<1x8xf32>
    %mul3A = vector.broadcast %div3A : vector<2048x1xf32> to vector<2048x8xf32>
    %mul3A_42 = vector.broadcast %get3A_41 : vector<1x8xf32> to vector<2048x8xf32>
    %mul3A_43 = arith.mulf %mul3A, %mul3A_42 : vector<2048x8xf32>
    %max3A_44 = arith.constant 0.000000e+00 : f32
    %max3A_45 = vector.broadcast %max3A_44 : f32 to vector<2048x8xf32>
    %max3A_46 = arith.maximumf %mul3A_43, %max3A_45 : vector<2048x8xf32>
    %get3A_47 = arith.constant 1 : index
    %get3A_48 = arith.constant 0 : index
    %get3A_49 = vector.load %arg9[%get3A_47, %get3A_48] : memref<17x8xf32, #tpu.memory_space<vmem>>, vector<8x8xf32>
    %dot_general3A_50 = arith.constant dense<0.000000e+00> : vector<2048x8xf32>
    %dot_general3A_51 = tpu.matmul %max3A_46, %get3A_49, %dot_general3A_50 {dimension_numbers = #tpu.dot_dimension_numbers<[1], [0], [0], [1], [0, 0, 1, 1], [], []>, transpose_lhs_hint = false} : vector<2048x8xf32>, vector<8x8xf32>, vector<2048x8xf32> -> vector<2048x8xf32>
    %max3A_52 = arith.constant 0.000000e+00 : f32
    %max3A_53 = vector.broadcast %max3A_52 : f32 to vector<2048x8xf32>
    %max3A_54 = arith.maximumf %dot_general3A_51, %max3A_53 : vector<2048x8xf32>
    %get3A_55 = arith.constant 9 : index
    %get3A_56 = arith.constant 0 : index
    %get3A_57 = vector.load %arg9[%get3A_55, %get3A_56] : memref<17x8xf32, #tpu.memory_space<vmem>>, vector<8x1xf32>
    %dot_general3A_58 = arith.constant dense<0.000000e+00> : vector<2048x1xf32>
    %dot_general3A_59 = tpu.matmul %max3A_54, %get3A_57, %dot_general3A_58 {dimension_numbers = #tpu.dot_dimension_numbers<[1], [0], [0], [1], [0, 0, 1, 1], [], []>, transpose_lhs_hint = false} : vector<2048x8xf32>, vector<8x1xf32>, vector<2048x1xf32> -> vector<2048x1xf32>
    %max3A_60 = arith.constant 0.000000e+00 : f32
    %max3A_61 = vector.broadcast %max3A_60 : f32 to vector<2048x1xf32>
    %max3A_62 = arith.maximumf %dot_general3A_59, %max3A_61 : vector<2048x1xf32>
    %mul3A_63 = vector.broadcast %max3A_62 : vector<2048x1xf32> to vector<2048x128xf32>
    %mul3A_64 = arith.mulf %max3A_27, %mul3A_63 : vector<2048x128xf32>
    %get3A_65 = arith.constant 0 : index
    %get3A_66 = arith.constant 0 : index
    %get3A_67 = vector.load %arg10[%get3A_65, %get3A_66] : memref<3x8xf32, #tpu.memory_space<vmem>>, vector<3x8xf32>
    %dot_general3A_68 = arith.constant dense<0.000000e+00> : vector<2048x8xf32>
    %dot_general3A_69 = tpu.matmul %sub3A, %get3A_67, %dot_general3A_68 {dimension_numbers = #tpu.dot_dimension_numbers<[1], [0], [0], [1], [0, 0, 1, 1], [], []>, transpose_lhs_hint = false} : vector<2048x3xf32>, vector<3x8xf32>, vector<2048x8xf32> -> vector<2048x8xf32>
    %max3A_70 = arith.constant 0.000000e+00 : f32
    %max3A_71 = vector.broadcast %max3A_70 : f32 to vector<2048x8xf32>
    %max3A_72 = arith.maximumf %dot_general3A_69, %max3A_71 : vector<2048x8xf32>
    %get3A_73 = arith.constant 0 : index
    %get3A_74 = arith.constant 0 : index
    %get3A_75 = vector.load %arg11[%get3A_73, %get3A_74] : memref<8x8xf32, #tpu.memory_space<vmem>>, vector<8x8xf32>
    %dot_general3A_76 = arith.constant dense<0.000000e+00> : vector<2048x8xf32>
    %dot_general3A_77 = tpu.matmul %max3A_72, %get3A_75, %dot_general3A_76 {dimension_numbers = #tpu.dot_dimension_numbers<[1], [0], [0], [1], [0, 0, 1, 1], [], []>, transpose_lhs_hint = false} : vector<2048x8xf32>, vector<8x8xf32>, vector<2048x8xf32> -> vector<2048x8xf32>
    %max3A_78 = arith.constant 0.000000e+00 : f32
    %max3A_79 = vector.broadcast %max3A_78 : f32 to vector<2048x8xf32>
    %max3A_80 = arith.maximumf %dot_general3A_77, %max3A_79 : vector<2048x8xf32>
    %get3A_81 = arith.constant 0 : index
    %get3A_82 = arith.constant 0 : index
    %get3A_83 = vector.load %arg12[%get3A_81, %get3A_82] : memref<8x16xf32, #tpu.memory_space<vmem>>, vector<8x16xf32>
    %dot_general3A_84 = arith.constant dense<0.000000e+00> : vector<2048x16xf32>
    %dot_general3A_85 = tpu.matmul %max3A_80, %get3A_83, %dot_general3A_84 {dimension_numbers = #tpu.dot_dimension_numbers<[1], [0], [0], [1], [0, 0, 1, 1], [], []>, transpose_lhs_hint = false} : vector<2048x8xf32>, vector<8x16xf32>, vector<2048x16xf32> -> vector<2048x16xf32>
    %max3A_86 = arith.constant 0.000000e+00 : f32
    %max3A_87 = vector.broadcast %max3A_86 : f32 to vector<2048x16xf32>
    %max3A_88 = arith.maximumf %dot_general3A_85, %max3A_87 : vector<2048x16xf32>
    %iota3A = tpu.iota {dimensions = array<i32: 0>} : vector<256x128xi32>
    %jit3A = arith.constant 32 : i32
    %div3A_89 = vector.broadcast %jit3A : i32 to vector<256x128xi32>
    %div3A_90 = arith.divsi %iota3A, %div3A_89 : vector<256x128xi32>
    %sign3A = arith.constant 0 : i32
    %sign3A_91 = vector.broadcast %sign3A : i32 to vector<256x128xi32>
    %sign3A_92 = arith.cmpi sgt, %iota3A, %sign3A_91 : vector<256x128xi32>
    %sign3A_93 = arith.extui %sign3A_92 : vector<256x128xi1> to vector<256x128xi32>
    %sign3A_94 = arith.constant 0 : i32
    %sign3A_95 = vector.broadcast %sign3A_94 : i32 to vector<256x128xi32>
    %sign3A_96 = arith.cmpi slt, %iota3A, %sign3A_95 : vector<256x128xi32>
    %sign3A_97 = arith.extui %sign3A_96 : vector<256x128xi1> to vector<256x128xi32>
    %sign3A_98 = arith.subi %sign3A_93, %sign3A_97 : vector<256x128xi32>
    %sign3A_99 = arith.constant 0 : i32
    %sign3A_100 = arith.cmpi sgt, %jit3A, %sign3A_99 : i32
    %sign3A_101 = arith.extui %sign3A_100 : i1 to i32
    %sign3A_102 = arith.constant 0 : i32
    %sign3A_103 = arith.cmpi slt, %jit3A, %sign3A_102 : i32
    %sign3A_104 = arith.extui %sign3A_103 : i1 to i32
    %sign3A_105 = arith.subi %sign3A_101, %sign3A_104 : i32
    %ne3A = vector.broadcast %sign3A_105 : i32 to vector<256x128xi32>
    %ne3A_106 = arith.cmpi ne, %sign3A_98, %ne3A : vector<256x128xi32>
    %rem3A = vector.broadcast %jit3A : i32 to vector<256x128xi32>
    %rem3A_107 = arith.remsi %iota3A, %rem3A : vector<256x128xi32>
    %ne3A_108 = arith.constant 0 : i32
    %ne3A_109 = vector.broadcast %ne3A_108 : i32 to vector<256x128xi32>
    %ne3A_110 = arith.cmpi ne, %rem3A_107, %ne3A_109 : vector<256x128xi32>
    %and3A = arith.andi %ne3A_106, %ne3A_110 : vector<256x128xi1>
    %sub3A_111 = arith.constant 1 : i32
    %sub3A_112 = vector.broadcast %sub3A_111 : i32 to vector<256x128xi32>
    %sub3A_113 = arith.subi %div3A_90, %sub3A_112 : vector<256x128xi32>
    %select_n3A = arith.select %and3A, %sub3A_113, %div3A_90 : vector<256x128xi1>, vector<256x128xi32>
    %iota3A_114 = tpu.iota {dimensions = array<i32: 1>} : vector<256x128xi32>
    %jit3A_115 = arith.constant 16 : i32
    %div3A_116 = vector.broadcast %jit3A_115 : i32 to vector<256x128xi32>
    %div3A_117 = arith.divsi %iota3A_114, %div3A_116 : vector<256x128xi32>
    %sign3A_118 = arith.constant 0 : i32
    %sign3A_119 = vector.broadcast %sign3A_118 : i32 to vector<256x128xi32>
    %sign3A_120 = arith.cmpi sgt, %iota3A_114, %sign3A_119 : vector<256x128xi32>
    %sign3A_121 = arith.extui %sign3A_120 : vector<256x128xi1> to vector<256x128xi32>
    %sign3A_122 = arith.constant 0 : i32
    %sign3A_123 = vector.broadcast %sign3A_122 : i32 to vector<256x128xi32>
    %sign3A_124 = arith.cmpi slt, %iota3A_114, %sign3A_123 : vector<256x128xi32>
    %sign3A_125 = arith.extui %sign3A_124 : vector<256x128xi1> to vector<256x128xi32>
    %sign3A_126 = arith.subi %sign3A_121, %sign3A_125 : vector<256x128xi32>
    %sign3A_127 = arith.constant 0 : i32
    %sign3A_128 = arith.cmpi sgt, %jit3A_115, %sign3A_127 : i32
    %sign3A_129 = arith.extui %sign3A_128 : i1 to i32
    %sign3A_130 = arith.constant 0 : i32
    %sign3A_131 = arith.cmpi slt, %jit3A_115, %sign3A_130 : i32
    %sign3A_132 = arith.extui %sign3A_131 : i1 to i32
    %sign3A_133 = arith.subi %sign3A_129, %sign3A_132 : i32
    %ne3A_134 = vector.broadcast %sign3A_133 : i32 to vector<256x128xi32>
    %ne3A_135 = arith.cmpi ne, %sign3A_126, %ne3A_134 : vector<256x128xi32>
    %rem3A_136 = vector.broadcast %jit3A_115 : i32 to vector<256x128xi32>
    %rem3A_137 = arith.remsi %iota3A_114, %rem3A_136 : vector<256x128xi32>
    %ne3A_138 = arith.constant 0 : i32
    %ne3A_139 = vector.broadcast %ne3A_138 : i32 to vector<256x128xi32>
    %ne3A_140 = arith.cmpi ne, %rem3A_137, %ne3A_139 : vector<256x128xi32>
    %and3A_141 = arith.andi %ne3A_135, %ne3A_140 : vector<256x128xi1>
    %sub3A_142 = arith.constant 1 : i32
    %sub3A_143 = vector.broadcast %sub3A_142 : i32 to vector<256x128xi32>
    %sub3A_144 = arith.subi %div3A_117, %sub3A_143 : vector<256x128xi32>
    %select_n3A_145 = arith.select %and3A_141, %sub3A_144, %div3A_117 : vector<256x128xi1>, vector<256x128xi32>
    %eq3A = arith.cmpi eq, %select_n3A, %select_n3A_145 : vector<256x128xi32>
    %slice3A_146 = vector.extract_strided_slice %mul3A_64 {offsets = [0, 0], sizes = [256, 128], strides = [1, 1]} : vector<2048x128xf32> to vector<256x128xf32>
    %slice3A_147 = vector.extract_strided_slice %max3A_88 {offsets = [0, 0], sizes = [256, 16], strides = [1, 1]} : vector<2048x16xf32> to vector<256x16xf32>
    %concatenate3A_148 = tpu.concatenate %slice3A_147, %slice3A_147, %slice3A_147, %slice3A_147, %slice3A_147, %slice3A_147, %slice3A_147, %slice3A_147 in 1 : vector<256x16xf32>, vector<256x16xf32>, vector<256x16xf32>, vector<256x16xf32>, vector<256x16xf32>, vector<256x16xf32>, vector<256x16xf32>, vector<256x16xf32> -> vector<256x128xf32>
    %jit3A_149 = arith.constant 0.000000e+00 : f32
    %broadcast_in_dim3A = vector.broadcast %jit3A_149 : f32 to vector<256x128xf32>
    %select_n3A_150 = arith.select %eq3A, %concatenate3A_148, %broadcast_in_dim3A : vector<256x128xi1>, vector<256x128xf32>
    %dot_general3A_151 = arith.constant dense<0.000000e+00> : vector<128x128xf32>
    %dot_general3A_152 = tpu.matmul %select_n3A_150, %slice3A_146, %dot_general3A_151 {dimension_numbers = #tpu.dot_dimension_numbers<[0], [0], [1], [1], [0, 1, 1, 1], [], []>, transpose_lhs_hint = false} : vector<256x128xf32>, vector<256x128xf32>, vector<128x128xf32> -> vector<128x128xf32>
    %slice3A_153 = vector.extract_strided_slice %mul3A_64 {offsets = [256, 0], sizes = [256, 128], strides = [1, 1]} : vector<2048x128xf32> to vector<256x128xf32>
    %slice3A_154 = vector.extract_strided_slice %max3A_88 {offsets = [256, 0], sizes = [256, 16], strides = [1, 1]} : vector<2048x16xf32> to vector<256x16xf32>
    %concatenate3A_155 = tpu.concatenate %slice3A_154, %slice3A_154, %slice3A_154, %slice3A_154, %slice3A_154, %slice3A_154, %slice3A_154, %slice3A_154 in 1 : vector<256x16xf32>, vector<256x16xf32>, vector<256x16xf32>, vector<256x16xf32>, vector<256x16xf32>, vector<256x16xf32>, vector<256x16xf32>, vector<256x16xf32> -> vector<256x128xf32>
    %jit3A_156 = arith.constant 0.000000e+00 : f32
    %broadcast_in_dim3A_157 = vector.broadcast %jit3A_156 : f32 to vector<256x128xf32>
    %select_n3A_158 = arith.select %eq3A, %concatenate3A_155, %broadcast_in_dim3A_157 : vector<256x128xi1>, vector<256x128xf32>
    %dot_general3A_159 = arith.constant dense<0.000000e+00> : vector<128x128xf32>
    %dot_general3A_160 = tpu.matmul %select_n3A_158, %slice3A_153, %dot_general3A_159 {dimension_numbers = #tpu.dot_dimension_numbers<[0], [0], [1], [1], [0, 1, 1, 1], [], []>, transpose_lhs_hint = false} : vector<256x128xf32>, vector<256x128xf32>, vector<128x128xf32> -> vector<128x128xf32>
    %slice3A_161 = vector.extract_strided_slice %mul3A_64 {offsets = [512, 0], sizes = [256, 128], strides = [1, 1]} : vector<2048x128xf32> to vector<256x128xf32>
    %slice3A_162 = vector.extract_strided_slice %max3A_88 {offsets = [512, 0], sizes = [256, 16], strides = [1, 1]} : vector<2048x16xf32> to vector<256x16xf32>
    %concatenate3A_163 = tpu.concatenate %slice3A_162, %slice3A_162, %slice3A_162, %slice3A_162, %slice3A_162, %slice3A_162, %slice3A_162, %slice3A_162 in 1 : vector<256x16xf32>, vector<256x16xf32>, vector<256x16xf32>, vector<256x16xf32>, vector<256x16xf32>, vector<256x16xf32>, vector<256x16xf32>, vector<256x16xf32> -> vector<256x128xf32>
    %jit3A_164 = arith.constant 0.000000e+00 : f32
    %broadcast_in_dim3A_165 = vector.broadcast %jit3A_164 : f32 to vector<256x128xf32>
    %select_n3A_166 = arith.select %eq3A, %concatenate3A_163, %broadcast_in_dim3A_165 : vector<256x128xi1>, vector<256x128xf32>
    %dot_general3A_167 = arith.constant dense<0.000000e+00> : vector<128x128xf32>
    %dot_general3A_168 = tpu.matmul %select_n3A_166, %slice3A_161, %dot_general3A_167 {dimension_numbers = #tpu.dot_dimension_numbers<[0], [0], [1], [1], [0, 1, 1, 1], [], []>, transpose_lhs_hint = false} : vector<256x128xf32>, vector<256x128xf32>, vector<128x128xf32> -> vector<128x128xf32>
    %slice3A_169 = vector.extract_strided_slice %mul3A_64 {offsets = [768, 0], sizes = [256, 128], strides = [1, 1]} : vector<2048x128xf32> to vector<256x128xf32>
    %slice3A_170 = vector.extract_strided_slice %max3A_88 {offsets = [768, 0], sizes = [256, 16], strides = [1, 1]} : vector<2048x16xf32> to vector<256x16xf32>
    %concatenate3A_171 = tpu.concatenate %slice3A_170, %slice3A_170, %slice3A_170, %slice3A_170, %slice3A_170, %slice3A_170, %slice3A_170, %slice3A_170 in 1 : vector<256x16xf32>, vector<256x16xf32>, vector<256x16xf32>, vector<256x16xf32>, vector<256x16xf32>, vector<256x16xf32>, vector<256x16xf32>, vector<256x16xf32> -> vector<256x128xf32>
    %jit3A_172 = arith.constant 0.000000e+00 : f32
    %broadcast_in_dim3A_173 = vector.broadcast %jit3A_172 : f32 to vector<256x128xf32>
    %select_n3A_174 = arith.select %eq3A, %concatenate3A_171, %broadcast_in_dim3A_173 : vector<256x128xi1>, vector<256x128xf32>
    %dot_general3A_175 = arith.constant dense<0.000000e+00> : vector<128x128xf32>
    %dot_general3A_176 = tpu.matmul %select_n3A_174, %slice3A_169, %dot_general3A_175 {dimension_numbers = #tpu.dot_dimension_numbers<[0], [0], [1], [1], [0, 1, 1, 1], [], []>, transpose_lhs_hint = false} : vector<256x128xf32>, vector<256x128xf32>, vector<128x128xf32> -> vector<128x128xf32>
    %slice3A_177 = vector.extract_strided_slice %mul3A_64 {offsets = [1024, 0], sizes = [256, 128], strides = [1, 1]} : vector<2048x128xf32> to vector<256x128xf32>
    %slice3A_178 = vector.extract_strided_slice %max3A_88 {offsets = [1024, 0], sizes = [256, 16], strides = [1, 1]} : vector<2048x16xf32> to vector<256x16xf32>
    %concatenate3A_179 = tpu.concatenate %slice3A_178, %slice3A_178, %slice3A_178, %slice3A_178, %slice3A_178, %slice3A_178, %slice3A_178, %slice3A_178 in 1 : vector<256x16xf32>, vector<256x16xf32>, vector<256x16xf32>, vector<256x16xf32>, vector<256x16xf32>, vector<256x16xf32>, vector<256x16xf32>, vector<256x16xf32> -> vector<256x128xf32>
    %jit3A_180 = arith.constant 0.000000e+00 : f32
    %broadcast_in_dim3A_181 = vector.broadcast %jit3A_180 : f32 to vector<256x128xf32>
    %select_n3A_182 = arith.select %eq3A, %concatenate3A_179, %broadcast_in_dim3A_181 : vector<256x128xi1>, vector<256x128xf32>
    %dot_general3A_183 = arith.constant dense<0.000000e+00> : vector<128x128xf32>
    %dot_general3A_184 = tpu.matmul %select_n3A_182, %slice3A_177, %dot_general3A_183 {dimension_numbers = #tpu.dot_dimension_numbers<[0], [0], [1], [1], [0, 1, 1, 1], [], []>, transpose_lhs_hint = false} : vector<256x128xf32>, vector<256x128xf32>, vector<128x128xf32> -> vector<128x128xf32>
    %slice3A_185 = vector.extract_strided_slice %mul3A_64 {offsets = [1280, 0], sizes = [256, 128], strides = [1, 1]} : vector<2048x128xf32> to vector<256x128xf32>
    %slice3A_186 = vector.extract_strided_slice %max3A_88 {offsets = [1280, 0], sizes = [256, 16], strides = [1, 1]} : vector<2048x16xf32> to vector<256x16xf32>
    %concatenate3A_187 = tpu.concatenate %slice3A_186, %slice3A_186, %slice3A_186, %slice3A_186, %slice3A_186, %slice3A_186, %slice3A_186, %slice3A_186 in 1 : vector<256x16xf32>, vector<256x16xf32>, vector<256x16xf32>, vector<256x16xf32>, vector<256x16xf32>, vector<256x16xf32>, vector<256x16xf32>, vector<256x16xf32> -> vector<256x128xf32>
    %jit3A_188 = arith.constant 0.000000e+00 : f32
    %broadcast_in_dim3A_189 = vector.broadcast %jit3A_188 : f32 to vector<256x128xf32>
    %select_n3A_190 = arith.select %eq3A, %concatenate3A_187, %broadcast_in_dim3A_189 : vector<256x128xi1>, vector<256x128xf32>
    %dot_general3A_191 = arith.constant dense<0.000000e+00> : vector<128x128xf32>
    %dot_general3A_192 = tpu.matmul %select_n3A_190, %slice3A_185, %dot_general3A_191 {dimension_numbers = #tpu.dot_dimension_numbers<[0], [0], [1], [1], [0, 1, 1, 1], [], []>, transpose_lhs_hint = false} : vector<256x128xf32>, vector<256x128xf32>, vector<128x128xf32> -> vector<128x128xf32>
    %slice3A_193 = vector.extract_strided_slice %mul3A_64 {offsets = [1536, 0], sizes = [256, 128], strides = [1, 1]} : vector<2048x128xf32> to vector<256x128xf32>
    %slice3A_194 = vector.extract_strided_slice %max3A_88 {offsets = [1536, 0], sizes = [256, 16], strides = [1, 1]} : vector<2048x16xf32> to vector<256x16xf32>
    %concatenate3A_195 = tpu.concatenate %slice3A_194, %slice3A_194, %slice3A_194, %slice3A_194, %slice3A_194, %slice3A_194, %slice3A_194, %slice3A_194 in 1 : vector<256x16xf32>, vector<256x16xf32>, vector<256x16xf32>, vector<256x16xf32>, vector<256x16xf32>, vector<256x16xf32>, vector<256x16xf32>, vector<256x16xf32> -> vector<256x128xf32>
    %jit3A_196 = arith.constant 0.000000e+00 : f32
    %broadcast_in_dim3A_197 = vector.broadcast %jit3A_196 : f32 to vector<256x128xf32>
    %select_n3A_198 = arith.select %eq3A, %concatenate3A_195, %broadcast_in_dim3A_197 : vector<256x128xi1>, vector<256x128xf32>
    %dot_general3A_199 = arith.constant dense<0.000000e+00> : vector<128x128xf32>
    %dot_general3A_200 = tpu.matmul %select_n3A_198, %slice3A_193, %dot_general3A_199 {dimension_numbers = #tpu.dot_dimension_numbers<[0], [0], [1], [1], [0, 1, 1, 1], [], []>, transpose_lhs_hint = false} : vector<256x128xf32>, vector<256x128xf32>, vector<128x128xf32> -> vector<128x128xf32>
    %slice3A_201 = vector.extract_strided_slice %mul3A_64 {offsets = [1792, 0], sizes = [256, 128], strides = [1, 1]} : vector<2048x128xf32> to vector<256x128xf32>
    %slice3A_202 = vector.extract_strided_slice %max3A_88 {offsets = [1792, 0], sizes = [256, 16], strides = [1, 1]} : vector<2048x16xf32> to vector<256x16xf32>
    %concatenate3A_203 = tpu.concatenate %slice3A_202, %slice3A_202, %slice3A_202, %slice3A_202, %slice3A_202, %slice3A_202, %slice3A_202, %slice3A_202 in 1 : vector<256x16xf32>, vector<256x16xf32>, vector<256x16xf32>, vector<256x16xf32>, vector<256x16xf32>, vector<256x16xf32>, vector<256x16xf32>, vector<256x16xf32> -> vector<256x128xf32>
    %jit3A_204 = arith.constant 0.000000e+00 : f32
    %broadcast_in_dim3A_205 = vector.broadcast %jit3A_204 : f32 to vector<256x128xf32>
    %select_n3A_206 = arith.select %eq3A, %concatenate3A_203, %broadcast_in_dim3A_205 : vector<256x128xi1>, vector<256x128xf32>
    %dot_general3A_207 = arith.constant dense<0.000000e+00> : vector<128x128xf32>
    %dot_general3A_208 = tpu.matmul %select_n3A_206, %slice3A_201, %dot_general3A_207 {dimension_numbers = #tpu.dot_dimension_numbers<[0], [0], [1], [1], [0, 1, 1, 1], [], []>, transpose_lhs_hint = false} : vector<256x128xf32>, vector<256x128xf32>, vector<128x128xf32> -> vector<128x128xf32>
    %concatenate3A_209 = tpu.concatenate %dot_general3A_152, %dot_general3A_160, %dot_general3A_168, %dot_general3A_176, %dot_general3A_184, %dot_general3A_192, %dot_general3A_200, %dot_general3A_208 in 0 : vector<128x128xf32>, vector<128x128xf32>, vector<128x128xf32>, vector<128x128xf32>, vector<128x128xf32>, vector<128x128xf32>, vector<128x128xf32>, vector<128x128xf32> -> vector<1024x128xf32>
    %broadcast_in_dim3A_210 = vector.shape_cast %concatenate3A_209 : vector<1024x128xf32> to vector<1x1024x128xf32>
    %swap3A = arith.constant 0 : index
    %swap3A_211 = arith.constant 0 : index
    %swap3A_212 = arith.constant 0 : index
    %swap3A_213 = vector.load %arg13[%swap3A, %swap3A_211, %swap3A_212] : memref<1x1024x128xf32, #tpu.memory_space<vmem>>, vector<1x1024x128xf32>
    tpu.vector_store %arg13[%swap3A, %swap3A_211, %swap3A_212], %broadcast_in_dim3A_210 {strides = array<i32>} : memref<1x1024x128xf32, #tpu.memory_space<vmem>>, vector<1x1024x128xf32>,
    return
  }
  func.func @transform_0(%arg0: i32, %arg1: i32) -> (i32, i32) {
    %mul3A = arith.constant 8 : i32
    %mul3A_0 = arith.muli %arg0, %mul3A : i32
    %add3A = arith.addi %mul3A_0, %arg1 : i32
    %c0_i32 = arith.constant 0 : i32
    %c0_i32_1 = arith.constant 0 : i32
    return %add3A, %c0_i32 : i32, i32
  }
  func.func @transform_1(%arg0: i32, %arg1: i32) -> (i32, i32) {
    %mul3A = arith.constant 8 : i32
    %mul3A_0 = arith.muli %arg0, %mul3A : i32
    %add3A = arith.addi %mul3A_0, %arg1 : i32
    %c0_i32 = arith.constant 0 : i32
    %c0_i32_1 = arith.constant 0 : i32
    return %add3A, %c0_i32 : i32, i32
  }
  func.func @transform_2(%arg0: i32, %arg1: i32) -> (i32, i32, i32) {
    %c0_i32 = arith.constant 0 : i32
    %c0_i32_0 = arith.constant 0 : i32
    return %arg0, %arg1, %c0_i32 : i32, i32, i32
  }
  func.func @transform_3(%arg0: i32, %arg1: i32) -> (i32, i32) {
    %c0_i32 = arith.constant 0 : i32
    %c0_i32_0 = arith.constant 0 : i32
    %c0_i32_1 = arith.constant 0 : i32
    return %c0_i32, %c0_i32_0 : i32, i32
  }
  func.func @transform_4(%arg0: i32, %arg1: i32) -> (i32, i32) {
    %c0_i32 = arith.constant 0 : i32
    %c0_i32_0 = arith.constant 0 : i32
    %c0_i32_1 = arith.constant 0 : i32
    return %c0_i32, %c0_i32_0 : i32, i32
  }
  func.func @transform_5(%arg0: i32, %arg1: i32) -> (i32, i32) {
    %c0_i32 = arith.constant 0 : i32
    %c0_i32_0 = arith.constant 0 : i32
    %c0_i32_1 = arith.constant 0 : i32
    return %c0_i32, %c0_i32_0 : i32, i32
  }
  func.func @transform_6(%arg0: i32, %arg1: i32) -> (i32, i32) {
    %c0_i32 = arith.constant 0 : i32
    %c0_i32_0 = arith.constant 0 : i32
    %c0_i32_1 = arith.constant 0 : i32
    return %c0_i32, %c0_i32_0 : i32, i32
  }
  func.func @transform_7(%arg0: i32, %arg1: i32) -> (i32, i32) {
    %c0_i32 = arith.constant 0 : i32
    %c0_i32_0 = arith.constant 0 : i32
    %c0_i32_1 = arith.constant 0 : i32
    return %c0_i32, %c0_i32_0 : i32, i32
  }
  func.func @transform_8(%arg0: i32, %arg1: i32) -> (i32, i32) {
    %c0_i32 = arith.constant 0 : i32
    %c0_i32_0 = arith.constant 0 : i32
    %c0_i32_1 = arith.constant 0 : i32
    return %c0_i32, %c0_i32_0 : i32, i32
  }
  func.func @transform_9(%arg0: i32, %arg1: i32) -> (i32, i32) {
    %c0_i32 = arith.constant 0 : i32
    %c0_i32_0 = arith.constant 0 : i32
    %c0_i32_1 = arith.constant 0 : i32
    return %c0_i32, %c0_i32_0 : i32, i32
  }
  func.func @transform_10(%arg0: i32, %arg1: i32) -> (i32, i32) {
    %c0_i32 = arith.constant 0 : i32
    %c0_i32_0 = arith.constant 0 : i32
    %c0_i32_1 = arith.constant 0 : i32
    return %c0_i32, %c0_i32_0 : i32, i32
  }
  func.func @transform_11(%arg0: i32, %arg1: i32) -> (i32, i32, i32) {
    %c0_i32 = arith.constant 0 : i32
    %c0_i32_0 = arith.constant 0 : i32
    return %arg0, %arg1, %c0_i32 : i32, i32, i32
  }
}

module attributes {stable_mosaic.version = 14 : i64} {
  func.func @_lin_kernel(%arg0: i32, %arg1: i32, %arg2: memref<1x128x2048xf32, #tpu.memory_space<vmem>>, %arg3: memref<2048x128xf32, #tpu.memory_space<vmem>>, %arg4: memref<1x128x128xf32, #tpu.memory_space<vmem>>) attributes {dimension_semantics = [#tpu.dimension_semantics<arbitrary>, #tpu.dimension_semantics<arbitrary>], iteration_bounds = array<i64: 8, 4>, scalar_prefetch = 0 : i64, scratch_operands = 0 : i64, tpu.core_type = #tpu.core_type<tc>, window_params = [{transform_indices = @transform_0, window_bounds = array<i64: 1, 128, 2048>}, {pipeline_mode = #tpu.pipeline_mode<synchronous>, transform_indices = @transform_1, window_bounds = array<i64: 2048, 128>}, {transform_indices = @transform_2, window_bounds = array<i64: 1, 128, 128>}]} {
    %get3A = arith.constant 0 : index
    %get3A_0 = arith.constant 0 : index
    %get3A_1 = arith.constant 0 : index
    %get3A_2 = vector.load %arg2[%get3A, %get3A_0, %get3A_1] : memref<1x128x2048xf32, #tpu.memory_space<vmem>>, vector<1x128x2048xf32>
    %get3A_3 = vector.shape_cast %get3A_2 : vector<1x128x2048xf32> to vector<128x2048xf32>
    %get3A_4 = arith.constant 0 : index
    %get3A_5 = arith.constant 0 : index
    %get3A_6 = vector.load %arg3[%get3A_4, %get3A_5] : memref<2048x128xf32, #tpu.memory_space<vmem>>, vector<2048x128xf32>
    %dot_general3A = arith.constant dense<0.000000e+00> : vector<128x128xf32>
    %dot_general3A_7 = tpu.matmul %get3A_3, %get3A_6, %dot_general3A {dimension_numbers = #tpu.dot_dimension_numbers<[1], [0], [0], [1], [0, 0, 1, 1], [], []>, transpose_lhs_hint = false} : vector<128x2048xf32>, vector<2048x128xf32>, vector<128x128xf32> -> vector<128x128xf32>
    %max3A = arith.constant 0.000000e+00 : f32
    %max3A_8 = vector.broadcast %max3A : f32 to vector<128x128xf32>
    %max3A_9 = arith.maximumf %dot_general3A_7, %max3A_8 : vector<128x128xf32>
    %broadcast_in_dim3A = vector.shape_cast %max3A_9 : vector<128x128xf32> to vector<1x128x128xf32>
    %swap3A = arith.constant 0 : index
    %swap3A_10 = arith.constant 0 : index
    %swap3A_11 = arith.constant 0 : index
    %swap3A_12 = vector.load %arg4[%swap3A, %swap3A_10, %swap3A_11] : memref<1x128x128xf32, #tpu.memory_space<vmem>>, vector<1x128x128xf32>
    tpu.vector_store %arg4[%swap3A, %swap3A_10, %swap3A_11], %broadcast_in_dim3A {strides = array<i32>} : memref<1x128x128xf32, #tpu.memory_space<vmem>>, vector<1x128x128xf32>,
    return
  }
  func.func @transform_0(%arg0: i32, %arg1: i32) -> (i32, i32, i32) {
    %c0_i32 = arith.constant 0 : i32
    %c0_i32_0 = arith.constant 0 : i32
    return %arg0, %arg1, %c0_i32 : i32, i32, i32
  }
  func.func @transform_1(%arg0: i32, %arg1: i32) -> (i32, i32) {
    %c0_i32 = arith.constant 0 : i32
    %c0_i32_0 = arith.constant 0 : i32
    %c0_i32_1 = arith.constant 0 : i32
    return %c0_i32, %c0_i32_0 : i32, i32
  }
  func.func @transform_2(%arg0: i32, %arg1: i32) -> (i32, i32, i32) {
    %c0_i32 = arith.constant 0 : i32
    %c0_i32_0 = arith.constant 0 : i32
    return %arg0, %arg1, %c0_i32 : i32, i32, i32
  }
}

</mosaic_0001>

<sc_bundles>
// kernel: kernel.8.cloned.1.call-start
scs
__scs_entry_jumppad:
0x0: {  	(pc) =	sbr.rel $0x88, $3  }
0x1: {  	(tag) =	ssettag $0x0;
	lr =	simm.s32 $0x1  }
0x2: {  	[smem:$0x3F8B] =	sst lr;
	_ =	strace $0xD0000000  }
0x3: {  	_ = 	snop  }
0x4: {  	_ = 	snop  }
0x5: {  	_ = 	snop  }
0x6: {  	_ = 	snop  }
0x7: {  	_ = 	snop  }
__scs_overlays_trampoline_lowered:
0x8: {  	[smem:$0x3F9A] =	sst s0  }
0x9: {  	[smem:$0x3F9B] =	sst s1  }
0xa: {  	[smem:$0x3F9C] =	sst s2  }
0xb: {  	[smem:$0x3F9D] =	sst s3  }
0xc: {  	[smem:$0x3F9E] =	sst s4  }
0xd: {  	[smem:$0x3F9F] =	sst s5  }
0xe: {  	[smem:$0x3FA0] =	sst s6  }
0xf: {  	[smem:$0x3FA1] =	sst s7  }
0x10: {  	[smem:$0x3FA2] =	sst s8  }
0x11: {  	[smem:$0x3FA3] =	sst s9;
	s0 =	simm.s32 @!p0 $0x0  }
0x12: {  	s1 =	sld [smem:$0x3F89];
	s0 =	simm.s32 @p0 $0x1  }
0x13: {  	[smem:$0x3FA4] =	sst s0;
	s0 =	simm.s32 @!p1 $0x0  }
0x14: {  	s2 =	sld [smem:$0x3F88];
	s0 =	simm.s32 @p1 $0x1  }
0x15: {  	[smem:$0x3FA5] =	sst s0;
	s0 =	simm.s32 @!p2 $0x0  }
0x16: {  	s3 =	sld [smem:$0x3FDB];
	s0 =	simm.s32 @p2 $0x1  }
0x17: {  	s4 =	simm.s32 $0x1BF5;
	[smem:$0x3FA7] =	sst s0  }
0x18: {  	s0 =	sld [smem:$0x3F8A];
	_ =	swait.ge [sflag:s4], $0x0  }
0x19: {  	s7 =	sld [smem:$0x3F8B]  }
0x1a: {  	s8 =	sadd.s32 $0xFFFFE003, lr  }
0x1b: {  	s9 =	sadd.s32 $0xFFFFFEF7, lr;
	s5 =	simm.s32 $0xFFFFFFFF;
	p2 =	slt.u32 s8, $0xFFFFF086  }
0x1c: {  	p1 =	slt.u32 s9, $0xF7A;
	s5 =	simm.s32 @!p2 $0x0  }
0x1d: {  	s5 =	simm.s32 @p1 $0x1;
	p0 =	seq.s32 s7, s2  }
0x1e: {  	s7 =	smul.u32 @!p0 $0xF7A, s2;
	p2 =	seq.s32 @!p0 s5, $0x0  }
0x1f: {  	s9 =	smul.u32 $0xF7A, s1;
	s8 =	simm.s32 @!p0 $0x1BF5;
	p2 =	por !p2, p0  }
0x20: {  	[sflag:s8] =	ssyncset.s32 @!p0 $0xFFFFF086;
	s6 =	sadd.s32 @!p0 s3, s7;
	s7 =	simm.s32 @!p0 $0x108  }
0x21: {  	s3 =	sadd.s32 s3, s9;
	s6 =	sadd.s32 @!p0 $0x88, s6;
	s7 =	simm.s32 @p2 $0x1082  }
0x22: {  	[simem:s7], [sflag:s8] =	dma.local @!p0 [hbm:s6], $0xF7A  }
0x23: {  	s9 =	sor.u32 $0xD0000000, s2;
	s6 =	simm.s32 $0x108;
	_ =	swait.ge @!p0 [sflag:s8], $0x0  }
0x24: {  	s3 =	sadd.s32 $0x88, s3;
	s6 =	simm.s32 @!p1 $0x1082;
	[sflag:s4] =	ssyncset.s32 $0xFFFFF086  }
0x25: {  	[simem:s6], [sflag:s4] =	dma.local [hbm:s3], $0xF7A  }
0x26: {  	[smem:$0x3F8B] =	sst s1;
	(tag) =	ssettag s2;
	_ =	strace s9  }
0x27: {  	s1 =	sld [smem:$0x3F9B]  }
0x28: {  	s2 =	sld [smem:$0x3F9C]  }
0x29: {  	s4 =	sld [smem:$0x3F9E]  }
0x2a: {  	p0 =	seq.s32 s5, $0x0;
	s5 =	sld [smem:$0x3F9F]  }
0x2b: {  	s6 =	sld [smem:$0x3FA0]  }
0x2c: {  	s7 =	sld [smem:$0x3FA1]  }
0x2d: {  	s3 =	simm.s32 $0x108;
	s8 =	sld [smem:$0x3FA2]  }
0x2e: {  	s3 =	simm.s32 @!p0 $0x1082;
	s9 =	sld [smem:$0x3FA3]  }
0x2f: {  	lr =	sadd.s32 s0, s3;
	s0 =	sld [smem:$0x3F9A]  }
0x30: {  	s3 =	sld [smem:$0x3F9D]  }
0x31: {  	[smem:$0x3FA6] =	sst s10  }
0x32: {  	s10 =	sld [smem:$0x3FA4];
	_ =	sdelay $0x3  }
0x33: {  	p0 =	seq.s32 s10, $0x1;
	s10 =	sld [smem:$0x3FA6];
	_ =	sdelay $0x3  }
0x34: {  	[smem:$0x3FA6] =	sst s10  }
0x35: {  	s10 =	sld [smem:$0x3FA5];
	_ =	sdelay $0x3  }
0x36: {  	p1 =	seq.s32 s10, $0x1;
	s10 =	sld [smem:$0x3FA6];
	_ =	sdelay $0x3  }
0x37: {  	[smem:$0x3FA6] =	sst s10  }
0x38: {  	s10 =	sld [smem:$0x3FA7]  }
0x39: {  	_ = 	snop;
	(pc) =	sbr.ind lr, $3  }
0x3a: {  	_ = 	snop  }
0x3b: {  	_ = 	snop  }
0x3c: {  	p2 =	seq.s32 s10, $0x1;
	s10 =	sld [smem:$0x3FA6]  }
0x3d: {  	_ =	shalt  }
0x3e: {  	_ =	shalt  }
0x3f: {  	_ =	shalt  }
0x40: {  	_ =	shalt  }
0x41: {  	_ =	shalt  }
0x42: {  	_ =	shalt  }
0x43: {  	_ =	shalt  }
0x44: {  	_ =	shalt  }
0x45: {  	_ =	shalt  }
0x46: {  	_ =	shalt  }
0x47: {  	_ =	shalt  }
0x48: {  	_ =	shalt  }
0x49: {  	_ =	shalt  }
0x4a: {  	_ =	shalt  }
0x4b: {  	_ =	shalt  }
0x4c: {  	_ =	shalt  }
0x4d: {  	_ =	shalt  }
0x4e: {  	_ =	shalt  }
0x4f: {  	_ =	shalt  }
0x50: {  	_ =	shalt  }
0x51: {  	_ =	shalt  }
0x52: {  	_ =	shalt  }
0x53: {  	_ =	shalt  }
0x54: {  	_ =	shalt  }
0x55: {  	_ =	shalt  }
0x56: {  	_ =	shalt  }
0x57: {  	_ =	shalt  }
0x58: {  	_ =	shalt  }
0x59: {  	_ =	shalt  }
0x5a: {  	_ =	shalt  }
0x5b: {  	_ =	shalt  }
0x5c: {  	_ =	shalt  }
0x5d: {  	_ =	shalt  }
0x5e: {  	_ =	shalt  }
0x5f: {  	_ =	shalt  }
0x60: {  	_ =	shalt  }
0x61: {  	_ =	shalt  }
0x62: {  	_ =	shalt  }
0x63: {  	_ =	shalt  }
0x64: {  	_ =	shalt  }
0x65: {  	_ =	shalt  }
0x66: {  	_ =	shalt  }
0x67: {  	_ =	shalt  }
0x68: {  	_ =	shalt  }
0x69: {  	_ =	shalt  }
0x6a: {  	_ =	shalt  }
0x6b: {  	_ =	shalt  }
0x6c: {  	_ =	shalt  }
0x6d: {  	_ =	shalt  }
0x6e: {  	_ =	shalt  }
0x6f: {  	_ =	shalt  }
0x70: {  	_ =	shalt  }
0x71: {  	_ =	shalt  }
0x72: {  	_ =	shalt  }
0x73: {  	_ =	shalt  }
0x74: {  	_ =	shalt  }
0x75: {  	_ =	shalt  }
0x76: {  	_ =	shalt  }
0x77: {  	_ =	shalt  }
0x78: {  	_ =	shalt  }
0x79: {  	_ =	shalt  }
0x7a: {  	_ =	shalt  }
0x7b: {  	_ =	shalt  }
0x7c: {  	_ =	shalt  }
0x7d: {  	_ =	shalt  }
0x7e: {  	_ =	shalt  }
0x7f: {  	_ =	shalt  }
0x80: {  	_ =	shalt  }
0x81: {  	_ =	shalt  }
0x82: {  	_ =	shalt  }
0x83: {  	_ =	shalt  }
0x84: {  	_ =	shalt  }
0x85: {  	_ =	shalt  }
0x86: {  	_ =	shalt  }
0x87: {  	_ =	shalt  }
.Lfunc_end0:
.L_simem_size_0:
called_computation_lowered:
.L_overlay_start_0:
0x88: {  	s2 =	sld [smem:$0x3FD9]  }
0x89: {  	s3 =	sld [smem:$0x3FFE];
	_ =	sdelay $0x1  }
0x8a: {  	s1 =	srdreg.scid  }
0x8b: {  	s0 =	sand.u32 $0x1, s1  }
0x8c: {  	s14 =	sshll.u32 s0, $0xA;
	s2 =	sadd.s32 s3, s2  }
0x8d: {  	s2 =	sadd.s32 s2, s14  }
0x8e: {  	[smem:$0x3FB2] =	sst s2  }
0x8f: {  	_ = 	snop  }
0x90: {  	s2 =	sld [smem:$0x3FD0];
	_ =	sdelay $0x2  }
0x91: {  	s15 =	simm.s32 $0xA;
	s4 =	simm.s32 $0x10  }
0x92: {  	[smem:s4], [sflag:s15] =	dma.local [hbm:s2], $0x1  }
0x93: {  	_ =	swait.eq [sflag:s15], $0x1  }
0x94: {  	[sflag:s15] =	ssyncset.done $0x0  }
0x95: {  	[sflag:s15] =	ssyncadd.s32 $0xFFFFFFFF  }
0x96: {  	s16 =	sld [smem:$0x11];
	(tm) =	ssettm $0x1  }
0x97: {  	s17 =	sld [smem:$0x3FFB];
	_ =	sdelay $0x3  }
0x98: {  	_ =	strace s17  }
0x99: {  	s3 =	sld [smem:$0x3FFC];
	_ =	sdelay $0x3  }
0x9a: {  	_ =	strace s3  }
0x9b: {  	s3 =	sld [smem:$0x3FFD];
	_ =	sdelay $0x3  }
0x9c: {  	_ =	strace s3  }
0x9d: {  	_ =	strace $0x8FFFFFFF  }
0x9e: {  	s18 =	sld [smem:$0x3FDB];
	_ =	sdelay $0x1  }
0x9f: {  	s19 =	simm.s32 $_scs_section_size  }
0xa0: {  	s5 =	simm.s32 $_size__tile_overlayer_lowered;
	s6 =	simm.s32 $_tile_overlayer_lowered  }
0xa1: {  	s22 =	simm.s32 $0x1BFF;
	s21 =	sshll.u32 s6, $0x1;
	s3 =	sadd.s32 s19, s18  }
0xa2: {  	s7 =	simm.s32 $0x0;
	s20 =	sshll.u32 s5, $0x1;
	s5 =	sadd.s32 s21, s3  }
0xa3: {  	[timem:s7], [sflag:s22] =	dma.local [hbm:s5], s20  }
0xa4: {  	_ =	swait.ge [sflag:s22], s20  }
0xa5: {  	s4 =	ssub.s32 $0x0, s20;
	[sflag:s22] =	ssyncset.done $0x0  }
0xa6: {  	[sflag:s22] =	ssyncadd.s32 s4;
	_ =	sdelay $0x1  }
0xa7: {  	s23 =	simm.s32 $0x1B8B  }
0xa8: {  	_ =	swait.ge [sflag:s23], $0x1  }
0xa9: {  	[sflag:s23] =	ssyncset.done $0x0  }
0xaa: {  	s25 =	simm.s32 $0x1B8E;
	s24 =	sld [smem:$0x3FFE];
	[sflag:s23] =	ssyncadd.s32 $0xFFFFFFFF  }
0xab: {  	s26 =	simm.s32 $execute0_lowered;
	[smem:$0x3FD2] =	sst s25  }
0xac: {  	s5 =	sshll.u32 s26, $0x1;
	_ =	strace $0x80000046;
	[dreg:$0x1] =	wrdreg $0xFFFFFFFF  }
0xad: {  	s28 =	simm.s32 $_size_execute0_lowered;
	s3 =	sadd.s32 s3, s5;
	[dreg:$0x0] =	wrdreg $0x0  }
0xae: {  	s5 =	sshll.u32 s28, $0x1;
	[dreg:$0x2] =	wrdreg s3  }
0xaf: {  	[dreg:$0x3] =	wrdreg s5  }
0xb0: {  	[dreg:$0x4] =	wrdreg $0xC0  }
0xb1: {  	_ =	task [dreg:s7], $0x5FFFF  }
0xb2: {  	[dreg:$0x1] =	wrdreg $0xFFFFFFFF  }
0xb3: {  	[dreg:$0x0] =	wrdreg $0x60  }
0xb4: {  	[dreg:$0x2] =	wrdreg s24  }
0xb5: {  	[dreg:$0x3] =	wrdreg s16  }
0xb6: {  	[dreg:$0x4] =	wrdreg $0x9  }
0xb7: {  	_ =	task.clear_ibuf [dreg:s7], $0x5FFFF;
	_ =	strace $0x90000046  }
0xb8: {  	s29 =	simm.s32 $0x9;
	_ =	strace $0x80000048  }
0xb9: {  	_ =	swait.ge [sflag:s29], $0x1  }
0xba: {  	[sflag:s29] =	ssyncadd.s32 $0xFFFFFFFF  }
0xbb: {  	_ =	strace $0x90000048  }
0xbc: {  	_ =	sfence  }
0xbd: {  	s30 =	sld [smem:$0x0];
	_ =	sdelay $0x2  }
0xbe: {  	s31 =	sshll.u32 s1, $0xD;
	s1 =	sshrl.u32 s1, $0x2  }
0xbf: {  	s3 =	sand.u32 $0x4000, s31;
	s1 =	sadd.s32 s1, s30  }
0xc0: {  	s0 =	sor.u32 s3, s0;
	s1 =	sshll.u32 s1, $0x11  }
0xc1: {  	s0 =	sor.u32 s1, s0  }
0xc2: {  	s0 =	sadd.s32 $0x8F2B, s0  }
0xc3: {  	[sflag:s0] =	ssyncadd.remote.s32 $0x1  }
0xc4: {  	_ =	sfence.sel $0xFFFF  }
0xc5: {  	[dreg:$0x0] =	wrdreg $0xFFFFFFFF;
	(pc) =	sbr.abs _section_cstart, $3  }
0xc6: {  	[dreg:$0x1] =	wrdreg $0xFFFFFFFF  }
0xc7: {  	_ =	task.clear_ibuf [dreg:s7], $0x2FFFF;
	_ =	strace $0x9FFFFFFF  }
0xc8: {  	(tm) =	ssettm $0x7FFFFFFF  }
0xc9: {  	_ =	shalt  }
tec
execute0_lowered:
.L_overlay_start_1:
0x0: {  	(tag) =	ssettag $0x1  }
0x1: {  	s4 =	rddreg [dreg:$0x0]  }
0x2: {  	s5 =	rddreg [dreg:$0x1]  }
0x3: {  	s0 =	rddreg [dreg:$0x2];
	s1 =	simm.s32 $0x0  }
0x4: {  	s6 =	srdreg.scid;
	s2 =	stileid.u32;
	s10 =	simm.s32 $0x5000  }
0x5: {  	s11 =	simm.s32 $0x1;
	s12 =	simm.s32 $0x2;
	s13 =	simm.s32 $0x0  }
0x6: {  	[smem:$0x7FF] =	sst s1;
	s3 =	sadd.s32 $0x83400, s4;
	s6 =	sand.u32 $0x1, s6  }
0x7: {  	s7 =	sshll.u32 s2, $0x11;
	s8 =	sshll.u32 s2, $0xD;
	_ =	strace $0x80000047  }
0x8: {  	s9 =	sshll.u32 s6, $0xC;
	s7 =	sadd.s32 s7, s4;
	s30 =	ssub.s32 $0x2, s6  }
0x9: {  	s6 =	sshll.u32 s6, $0x10;
	s8 =	sor.u32 s9, s8;
	s31 =	sshrl.u32 s30, $0x1  }
0xa: {  	s6 =	sadd.s32 s6, s7;
	s7 =	simm.s32 $0x3;
	s8 =	sshrl.u32 s8, $0x3  }
0xb: {  	s9 =	ssub.s32 s30, s31;
	s6 =	sadd.s32 $0xC3400, s6;
	s4 =	sadd.s32 s5, s8  }
0xc: {  	s5 =	smax.u32 s9, $0x1;
	s8 =	simm.s32 $0x80;
	s9 =	simm.s32 $0x1000  }
.LBB2_1:
0xd: {  	[tilespmem:s1], [sflag:$0x3] =	stream.linear.gather [hbm4b:s4+s1], $0x1000, $0x38;
	[tilespmem:$0x9000] =	vst v63  }
0xe: {  	_ =	swait.ge [sflag:s7], $0x1000  }
0xf: {  	[sflag:s7] =	ssyncset.done $0x0  }
0x10: {  	s14 =	simm.s32 $0x0;
	[sflag:s7] =	ssyncadd.s32 $0xFFFFF000  }
0x11: {  	[tilespmem:s9], [sflag:$0x1] =	stream.indirect.gather [hbm4b:s3+s8], $0x80, s14, s8, $0xb8;
	[tilespmem:$0x9000] =	vst v63  }
0x12: {  	s30 =	simm.s32 $0x80  }
0x13: {  	[tilespmem:s10], [sflag:$0x2] =	stream.indirect.gather [hbm4b:s3+s8], $0x80, s30, s8, $0xb8;
	[tilespmem:$0x9000] =	vst v63  }
0x14: {  	_ =	swait.ge [sflag:s11], $0x4000  }
0x15: {  	[sflag:s11] =	ssyncset.done $0x0  }
0x16: {  	[sflag:s11] =	ssyncadd.s32 $0xFFFFC000  }
0x17: {  	[hbm4b:s6+s1] =	stream.linear.scatter [tilespmem:s9], [sflag:$0x3], $0x4000, $0x38;
	[tilespmem:$0x9000] =	vst v63  }
0x18: {  	_ =	swait.ge [sflag:s7], $0x4000  }
0x19: {  	[sflag:s7] =	ssyncset.done $0x0  }
0x1a: {  	[sflag:s7] =	ssyncadd.s32 $0xFFFFC000  }
0x1b: {  	_ =	swait.ge [sflag:s12], $0x4000  }
0x1c: {  	[sflag:s12] =	ssyncset.done $0x0  }
0x1d: {  	s31 =	sadd.s32 $0x800, s6;
	[sflag:s12] =	ssyncadd.s32 $0xFFFFC000  }
0x1e: {  	[hbm4b:s31+s1] =	stream.linear.scatter [tilespmem:s10], [sflag:$0x3], $0x4000, $0x38;
	[tilespmem:$0x9000] =	vst v63  }
0x1f: {  	s15 =	simm.s32 $0x400;
	_ =	swait.ge [sflag:s7], $0x4000  }
0x20: {  	s16 =	simm.s32 $0x800;
	s14 =	sadd.s32 $0x1000, s6;
	[sflag:s7] =	ssyncset.done $0x0  }
.LBB2_2:
0x21: {  	s17 =	sshra.s32 s15, $0x2  }
0x22: {  	[sflag:s7] =	ssyncadd.s32 $0xFFFFC000;
	s15 =	smov.u32 s16;
	s18 =	sadd.s32 $0x400, s16  }
0x23: {  	[tilespmem:s9], [sflag:$0x1] =	stream.indirect.gather [hbm4b:s3+s8], $0x80, s17, s8, $0xb8;
	[tilespmem:$0x9000] =	vst v63  }
0x24: {  	p0 =	sne.s32 s16, $0x3C00;
	s16 =	sadd.s32 $0x80, s17  }
0x25: {  	[tilespmem:s10], [sflag:$0x2] =	stream.indirect.gather [hbm4b:s3+s8], $0x80, s16, s8, $0xb8;
	[tilespmem:$0x9000] =	vst v63  }
0x26: {  	_ =	swait.ge [sflag:s11], $0x4000  }
0x27: {  	[sflag:s11] =	ssyncset.done $0x0  }
0x28: {  	[sflag:s11] =	ssyncadd.s32 $0xFFFFC000  }
0x29: {  	[hbm4b:s14+s1] =	stream.linear.scatter [tilespmem:s9], [sflag:$0x3], $0x4000, $0x38;
	[tilespmem:$0x9000] =	vst v63  }
0x2a: {  	_ =	swait.ge [sflag:s7], $0x4000  }
0x2b: {  	[sflag:s7] =	ssyncset.done $0x0  }
0x2c: {  	[sflag:s7] =	ssyncadd.s32 $0xFFFFC000  }
0x2d: {  	_ =	swait.ge [sflag:s12], $0x4000  }
.Ltmp0:
0x2e: {  	[sflag:s12] =	ssyncset.done $0x0;
	(pc) =	sbr.rel @p0 .LBB2_2-.Ltmp0, $4  }
0x2f: {  	s16 =	sadd.s32 $0x800, s14;
	[sflag:s12] =	ssyncadd.s32 $0xFFFFC000  }
0x30: {  	[hbm4b:s16+s1] =	stream.linear.scatter [tilespmem:s10], [sflag:$0x3], $0x4000, $0x38;
	[tilespmem:$0x9000] =	vst v63  }
0x31: {  	_ =	swait.ge [sflag:s7], $0x4000  }
0x32: {  	s14 =	sadd.s32 $0x1000, s14;
	s16 =	smov.u32 s18;
	[sflag:s7] =	ssyncset.done $0x0  }
0x33: {  	s15 =	sshra.s32 s15, $0x2;
	[sflag:s7] =	ssyncadd.s32 $0xFFFFC000  }
0x34: {  	[tilespmem:s9], [sflag:$0x1] =	stream.indirect.gather [hbm4b:s3+s8], $0x80, s15, s8, $0xb8;
	[tilespmem:$0x9000] =	vst v63  }
0x35: {  	s15 =	sadd.s32 $0x80, s15  }
0x36: {  	[tilespmem:s10], [sflag:$0x2] =	stream.indirect.gather [hbm4b:s3+s8], $0x80, s15, s8, $0xb8;
	[tilespmem:$0x9000] =	vst v63  }
0x37: {  	_ =	swait.ge [sflag:s11], $0x4000  }
0x38: {  	[sflag:s11] =	ssyncset.done $0x0  }
0x39: {  	[sflag:s11] =	ssyncadd.s32 $0xFFFFC000  }
0x3a: {  	[hbm4b:s14+s1] =	stream.linear.scatter [tilespmem:s9], [sflag:$0x3], $0x4000, $0x38;
	[tilespmem:$0x9000] =	vst v63  }
0x3b: {  	_ =	swait.ge [sflag:s7], $0x4000  }
0x3c: {  	[sflag:s7] =	ssyncset.done $0x0  }
0x3d: {  	[sflag:s7] =	ssyncadd.s32 $0xFFFFC000  }
0x3e: {  	s13 =	sadd.s32 $0x1, s13;
	_ =	swait.ge [sflag:s12], $0x4000  }
0x3f: {  	p0 =	sne.s32 s13, s5;
	[sflag:s12] =	ssyncset.done $0x0  }
.Ltmp1:
0x40: {  	s31 =	sadd.s32 $0x800, s14;
	[sflag:s12] =	ssyncadd.s32 $0xFFFFC000;
	(pc) =	sbr.rel @p0 .LBB2_1-.Ltmp1, $4  }
0x41: {  	[hbm4b:s31+s1] =	stream.linear.scatter [tilespmem:s10], [sflag:$0x3], $0x4000, $0x38;
	[tilespmem:$0x9000] =	vst v63  }
0x42: {  	_ =	swait.ge [sflag:s7], $0x4000  }
0x43: {  	[sflag:s7] =	ssyncset.done $0x0  }
0x44: {  	[sflag:s7] =	ssyncadd.s32 $0xFFFFC000  }
0x45: {  	_ =	sfence.sel $0x180000  }
0x46: {  	[bflag:$0x0] =	sbarrier.arrive $0xFFFF  }
0x47: {  	p0 =	sne.s32 s2, $0x0;
	_ =	strace $0x90000047  }
0x48: {  	s0 =	sadd.s32 @!p0 $0x100000, s0;
	[bflag:$0x2] =	sbarrier.arrive $0xFFFF  }
0x49: {  	[sflag:s0] =	ssyncadd.tile.s32 @!p0 $0x1;
	_ =	shalt  }
.Lfunc_end2:
_tile_overlayer_lowered:
.L_overlay_start_2:
0x4a: {  	(tag) =	ssettag $0x2  }
0x4b: {  	s0 =	rddreg [dreg:$0x0];
	s2 =	stileid.u32  }
0x4c: {  	s1 =	rddreg [dreg:$0x1];
	p0 =	sne.s32 s2, $0x0  }
0x4d: {  	s3 =	rddreg [dreg:$0x2];
	[bflag:$0x3] =	sbarrier.arrive $0xFFFF;
	s2 =	simm.s32 @!p0 $0x1C03  }
0x4e: {  	[timem:s3], [sflag:s2] =	dma.local @!p0 [hbm:s0], s1  }
0x4f: {  	s0 =	simm.s32 @!p0 $0x3  }
0x50: {  	_ =	swait.ge @!p0 [sflag:s0], s1  }
0x51: {  	s1 =	ssub.s32 @!p0 $0x0, s1;
	[sflag:s0] =	ssyncset.done @!p0 $0x0  }
0x52: {  	[sflag:s0] =	ssyncadd.s32 @!p0 s1  }
0x53: {  	[bflag:$0x3] =	sbarrier.arrive $0xFFFF  }
0x54: {  	_ =	shalt  }

</sc_bundles>
